<compile_context>
chip_gen: v7x
topology: tpu7x:2x2x1
jax: 0.10.2.dev20260603
libtpu: 0.0.44.dev20260713+nightly
codegen_flags: <defaults>
</compile_context>

<pallas_src>
import functools

import jax
import jax.numpy as jnp
from jax import lax
from jax.experimental import pallas as pl
from jax.experimental.pallas import tpu as pltpu
from jax.experimental.pallas import tpu_sc as plsc

_CAPACITY = 0.5
_ROWS_SC = 2048
_NTILES = 32
_BPT = _ROWS_SC // 8 // _NTILES


def _score_body(hs_ref, w_ref, b_ref, out_ref):
    wrep = w_ref[...]
    x = hs_ref[0].astype(jnp.bfloat16)
    acc = lax.dot_general(
        wrep, x, (((1,), (1,)), ((), ())),
        preferred_element_type=jnp.float32)
    out_ref[0, 0, :] = jax.nn.sigmoid(acc[0, :] + b_ref[0])


def _round_bf16(v):
    u = lax.bitcast_convert_type(v, jnp.int32)
    r = (u + jnp.int32(0x7FFF) + ((u >> 16) & 1)) & jnp.int32(-65536)
    return lax.bitcast_convert_type(r, jnp.float32)


def _sc_body(row0, hs_ref, w_ref, out_ref, xb, wb, ob):
    wid = lax.axis_index("s") * 2 + lax.axis_index("c")
    pltpu.sync_copy(w_ref, wb)

    def band_loop(bi, _):
        band = wid * _BPT + bi
        pltpu.sync_copy(hs_ref.at[pl.ds(row0 + band * 8, 8)], xb)
        for s_row in range(8):
            def c_loop(c, acc):
                for jj in range(4):
                    xv = xb[s_row, pl.ds((c * 4 + jj) * 16, 16)]
                    wv = wb[pl.ds((c * 4 + jj) * 16, 16)]
                    acc = acc + _round_bf16(xv) * wv
                return acc
            acc = lax.fori_loop(0, 16, c_loop, jnp.zeros((16,), jnp.float32))
            ob[pl.ds((bi * 8 + s_row) * 16, 16)] = acc
        return 0

    lax.fori_loop(0, _BPT, band_loop, 0)
    pltpu.sync_copy(
        ob, out_ref.at[pl.ds(wid * _BPT * 8 * 16, _BPT * 8 * 16)])


def _finalize_body(k, main_ref, tail_ref, scp_ref, b_ref, w_out_ref, mask_ref):
    sc_logits = jnp.sum(scp_ref[...], axis=1)
    wsc = jax.nn.sigmoid(sc_logits + b_ref[0])
    last = jnp.concatenate(
        [tail_ref[...], wsc.reshape(1, -1)], axis=1)
    w = jnp.concatenate([main_ref[...], last], axis=0)
    keys = lax.bitcast_convert_type(w, jnp.int32)

    def body(j, t):
        bit = lax.shift_left(jnp.int32(1), jnp.int32(30) - j)
        cand = t | bit
        cnt = jnp.sum((keys >= cand).astype(jnp.int32),
                      axis=1, keepdims=True)
        return jnp.where(cnt >= k, cand, t)

    t = lax.fori_loop(0, 31, body,
                      jnp.zeros((w.shape[0], 1), jnp.int32))
    thr = lax.bitcast_convert_type(t, jnp.float32)
    w_out_ref[...] = w
    mask_ref[...] = (w >= thr).astype(jnp.int8)


def kernel(hidden_states, W, b):
    B, S, D = hidden_states.shape
    k = max(1, int(_CAPACITY * S))

    BS = 2048
    n_tc = B * S - _ROWS_SC
    n_blk = n_tc // BS
    hs3 = hidden_states.reshape((B * S) // BS, BS, D)
    hs2 = hidden_states.reshape(B * S, D)
    wrep = jnp.broadcast_to(W.astype(jnp.bfloat16), (8, D))
    w_rounded = W.astype(jnp.bfloat16).astype(jnp.float32).reshape(D)

    sc_score = functools.partial(
        pl.kernel,
        out_type=jax.ShapeDtypeStruct((_ROWS_SC * 16,), jnp.float32),
        mesh=plsc.VectorSubcoreMesh(core_axis_name="c", subcore_axis_name="s"),
        scratch_types=[
            pltpu.VMEM((8, D), jnp.float32),
            pltpu.VMEM((D,), jnp.float32),
            pltpu.VMEM((_BPT * 8 * 16,), jnp.float32),
        ],
    )(functools.partial(_sc_body, n_tc))
    sc_partials = sc_score(hs2, w_rounded).reshape(_ROWS_SC, 16)

    wtc3 = pl.pallas_call(
        _score_body,
        grid=(n_blk,),
        in_specs=[
            pl.BlockSpec((1, BS, D), lambda i: (i, 0, 0)),
            pl.BlockSpec((8, D), lambda i: (0, 0)),
            pl.BlockSpec((1,), lambda i: (0,)),
        ],
        out_specs=pl.BlockSpec((1, 1, BS), lambda i: (i, 0, 0)),
        out_shape=jax.ShapeDtypeStruct((n_blk, 1, BS), jnp.float32),
        compiler_params=pltpu.CompilerParams(
            dimension_semantics=("parallel",)),
    )(hs3, wrep, b)

    wtc_flat = wtc3.reshape(n_tc)
    n_main = (B - 1) * S
    wtc_main = wtc_flat[:n_main].reshape(B - 1, S)
    wtc_tail = wtc_flat[n_main:].reshape(1, S - _ROWS_SC)

    weights, mask_i8 = pl.pallas_call(
        functools.partial(_finalize_body, k),
        in_specs=[
            pl.BlockSpec((B - 1, S), lambda: (0, 0)),
            pl.BlockSpec((1, S - _ROWS_SC), lambda: (0, 0)),
            pl.BlockSpec((_ROWS_SC, 16), lambda: (0, 0)),
            pl.BlockSpec((1,), lambda: (0,)),
        ],
        out_specs=[
            pl.BlockSpec((B, S), lambda: (0, 0)),
            pl.BlockSpec((B, S), lambda: (0, 0)),
        ],
        out_shape=[
            jax.ShapeDtypeStruct((B, S), jnp.float32),
            jax.ShapeDtypeStruct((B, S), jnp.int8),
        ],
    )(wtc_main, wtc_tail, sc_partials, b)

    return weights, mask_i8.astype(bool)

# --- scband reference (transcript-rebuilt; emitter-appended) ---
"""Pipeline reference for scband-mixture-of-depths-router-17927193493872 (READ-ONLY COPY).

The authoritative reference and input builder live on the scoring server;
editing this copy changes nothing except your own understanding.
"""

import jax, jax.numpy as jnp
import numpy as np

CAPACITY = 0.5

def setup_inputs(seed: int = 0) -> dict:
    key = jax.random.key(seed)
    k1, k2 = jax.random.split(key, 2)
    hidden_states = jax.random.normal(k1, (4, 8192, 1024), dtype=jnp.float32)
    W = jax.random.normal(k2, (1, 1024), dtype=jnp.float32) * (1.0 / np.sqrt(1024))
    b = jnp.zeros((1,), dtype=jnp.float32)
    return {"hidden_states": hidden_states, "W": W, "b": b}

def reference(hidden_states, W, b):
    # logits = router(hidden_states).squeeze(-1)  -- nn.Linear(hidden, 1)
    logits = jnp.einsum('bsd,od->bso', hidden_states, W) + b
    logits = jnp.squeeze(logits, -1)
    weights = jax.nn.sigmoid(logits)
    k = max(1, int(CAPACITY * hidden_states.shape[1]))
    topk_values, _ = jax.lax.top_k(weights, k)
    threshold = topk_values[:, -1:]
    selected_mask = weights >= threshold
    return (weights, selected_mask)

if __name__ == "__main__":
    import jax
    _d = setup_inputs()
    print(jax.jit(kernel)(*tuple(_d.values())))

</pallas_src>

<mosaic_0001>
#map = affine_map<(d0, d1) -> (0, 0)>
#map1 = affine_map<(d0, d1) -> (0)>
module attributes {stable_mosaic.version = 14 : i64} {
  func.func @_sc_body(%arg0: i32, %arg1: i32, %arg2: memref<32768x1024xf32, #tpu.memory_space<hbm>>, %arg3: memref<1024xf32, #tpu.memory_space<hbm>>, %arg4: memref<32768xf32, #tpu.memory_space<hbm>>, %arg5: memref<8x1024xf32, #tpu.memory_space<vmem>>, %arg6: memref<1024xf32, #tpu.memory_space<vmem>>, %arg7: memref<1024xf32, #tpu.memory_space<vmem>>) attributes {dimension_semantics = [#tpu.dimension_semantics<core_parallel>, #tpu.dimension_semantics<subcore_parallel>], iteration_bounds = array<i64: 2, 16>, scalar_prefetch = 0 : i64, scratch_operands = 3 : i64, tpu.core_type = #tpu.core_type<sc_vector_subcore>, window_params = [{transform_indices = #map}, {transform_indices = #map1}, {transform_indices = #map1}]} {
    %mul3A = arith.constant 2 : i32
    %mul3A_0 = arith.muli %arg1, %mul3A : i32
    %add3A = arith.addi %mul3A_0, %arg0 : i32
    "tpu.region"() ({
      %run_scoped3A = tpu.sem_alloc : memref<!tpu.dma_semaphore, #tpu.memory_space<semaphore_mem>>
      tpu.enqueue_dma source(%arg3 : memref<1024xf32, #tpu.memory_space<hbm>>) target(%arg6 : memref<1024xf32, #tpu.memory_space<vmem>>) target_semaphore(%run_scoped3A : memref<!tpu.dma_semaphore, #tpu.memory_space<semaphore_mem>>)
      tpu.wait_dma2 semaphore(%run_scoped3A : memref<!tpu.dma_semaphore, #tpu.memory_space<semaphore_mem>>) src(%arg3 : memref<1024xf32, #tpu.memory_space<hbm>>) dst(%arg6 : memref<1024xf32, #tpu.memory_space<vmem>>)
      tpu.yield
    }) : () -> ()
    %scan3A = arith.constant 0 : i32
    %scan3A_1 = arith.constant 0 : i32
    %scan3A_2 = arith.constant 8 : i32
    %scan3A_3 = arith.addi %scan3A_1, %scan3A_2 : i32
    %scan3A_4 = arith.constant 1 : i32
    %scan3A_5 = scf.for %scan3A_13 = %scan3A_1 to %scan3A_3 step %scan3A_4 iter_args(%scan3A_14 = %scan3A) -> (i32)  : i32 {
      %mul3A_15 = arith.constant 8 : i32
      %mul3A_16 = arith.muli %add3A, %mul3A_15 : i32
      %add3A_17 = arith.addi %mul3A_16, %scan3A_13 : i32
      %mul3A_18 = arith.constant 8 : i32
      %mul3A_19 = arith.muli %add3A_17, %mul3A_18 : i32
      %add3A_20 = arith.constant 30720 : i32
      %add3A_21 = arith.addi %add3A_20, %mul3A_19 : i32
      "tpu.region"() ({
        %run_scoped3A = tpu.sem_alloc : memref<!tpu.dma_semaphore, #tpu.memory_space<semaphore_mem>>
        %dma_start3A = arith.constant 0 : i32
        %dma_start3A_165 = tpu.memref_slice %arg2[%add3A_21, %dma_start3A] : memref<32768x1024xf32, #tpu.memory_space<hbm>> -> memref<8x1024xf32, #tpu.memory_space<hbm>>
        %dma_start3A_166 = arith.constant 0 : i32
        %dma_start3A_167 = tpu.memref_slice %arg2[%add3A_21, %dma_start3A_166] : memref<32768x1024xf32, #tpu.memory_space<hbm>> -> memref<8x1024xf32, #tpu.memory_space<hbm>>
        tpu.enqueue_dma source(%dma_start3A_167 : memref<8x1024xf32, #tpu.memory_space<hbm>>) target(%arg5 : memref<8x1024xf32, #tpu.memory_space<vmem>>) target_semaphore(%run_scoped3A : memref<!tpu.dma_semaphore, #tpu.memory_space<semaphore_mem>>)
        %dma_wait3A = arith.constant 0 : i32
        %dma_wait3A_168 = tpu.memref_slice %arg2[%add3A_21, %dma_wait3A] : memref<32768x1024xf32, #tpu.memory_space<hbm>> -> memref<8x1024xf32, #tpu.memory_space<hbm>>
        %dma_wait3A_169 = arith.constant 0 : i32
        %dma_wait3A_170 = tpu.memref_slice %arg2[%add3A_21, %dma_wait3A_169] : memref<32768x1024xf32, #tpu.memory_space<hbm>> -> memref<8x1024xf32, #tpu.memory_space<hbm>>
        tpu.wait_dma2 semaphore(%run_scoped3A : memref<!tpu.dma_semaphore, #tpu.memory_space<semaphore_mem>>) src(%dma_wait3A_170 : memref<8x1024xf32, #tpu.memory_space<hbm>>) dst(%arg5 : memref<8x1024xf32, #tpu.memory_space<vmem>>)
        tpu.yield
      }) : () -> ()
      %broadcast_in_dim3A = arith.constant 0.000000e+00 : f32
      %broadcast_in_dim3A_22 = vector.broadcast %broadcast_in_dim3A : f32 to vector<16xf32>
      %scan3A_23 = arith.constant 0 : i32
      %scan3A_24 = arith.constant 16 : i32
      %scan3A_25 = arith.addi %scan3A_23, %scan3A_24 : i32
      %scan3A_26 = arith.constant 1 : i32
      %scan3A_27 = scf.for %scan3A_165 = %scan3A_23 to %scan3A_25 step %scan3A_26 iter_args(%scan3A_166 = %broadcast_in_dim3A_22) -> (vector<16xf32>)  : i32 {
        %mul3A_167 = arith.constant 4 : i32
        %mul3A_168 = arith.muli %scan3A_165, %mul3A_167 : i32
        %add3A_169 = arith.constant 0 : i32
        %add3A_170 = arith.addi %mul3A_168, %add3A_169 : i32
        %mul3A_171 = arith.constant 16 : i32
        %mul3A_172 = arith.muli %add3A_170, %mul3A_171 : i32
        %get3A = arith.constant 0 : i32
        %get3A_173 = arith.index_cast %get3A : i32 to index
        %get3A_174 = arith.index_cast %mul3A_172 : i32 to index
        %get3A_175 = tpu.vector_load %arg5[%get3A_173, %get3A_174] {strides = array<i32>} : memref<8x1024xf32, #tpu.memory_space<vmem>>, vector<1x16xf32>,
        %get3A_176 = vector.shape_cast %get3A_175 : vector<1x16xf32> to vector<16xf32>
        %mul3A_177 = arith.constant 4 : i32
        %mul3A_178 = arith.muli %scan3A_165, %mul3A_177 : i32
        %add3A_179 = arith.constant 0 : i32
        %add3A_180 = arith.addi %mul3A_178, %add3A_179 : i32
        %mul3A_181 = arith.constant 16 : i32
        %mul3A_182 = arith.muli %add3A_180, %mul3A_181 : i32
        %get3A_183 = arith.index_cast %mul3A_182 : i32 to index
        %get3A_184 = tpu.vector_load %arg6[%get3A_183] {strides = array<i32>} : memref<1024xf32, #tpu.memory_space<vmem>>, vector<16xf32>,
        %get3A_185 = vector.shape_cast %get3A_184 : vector<16xf32> to vector<16xf32>
        %bitcast_convert_type3A = tpu.bitcast %get3A_176 : vector<16xf32> -> vector<16xi32>
        %add3A_186 = arith.constant 32767 : i32
        %add3A_187 = vector.broadcast %add3A_186 : i32 to vector<16xi32>
        %add3A_188 = arith.addi %bitcast_convert_type3A, %add3A_187 : vector<16xi32>
        %shift_right_arithmetic3A = arith.constant 16 : i32
        %shift_right_arithmetic3A_189 = vector.broadcast %shift_right_arithmetic3A : i32 to vector<16xi32>
        %shift_right_arithmetic3A_190 = arith.shrsi %bitcast_convert_type3A, %shift_right_arithmetic3A_189 : vector<16xi32>
        %and3A = arith.constant 1 : i32
        %and3A_191 = vector.broadcast %and3A : i32 to vector<16xi32>
        %and3A_192 = arith.andi %shift_right_arithmetic3A_190, %and3A_191 : vector<16xi32>
        %add3A_193 = arith.addi %add3A_188, %and3A_192 : vector<16xi32>
        %and3A_194 = arith.constant -65536 : i32
        %and3A_195 = vector.broadcast %and3A_194 : i32 to vector<16xi32>
        %and3A_196 = arith.andi %add3A_193, %and3A_195 : vector<16xi32>
        %bitcast_convert_type3A_197 = tpu.bitcast %and3A_196 : vector<16xi32> -> vector<16xf32>
        %mul3A_198 = arith.mulf %bitcast_convert_type3A_197, %get3A_185 : vector<16xf32>
        %add3A_199 = arith.addf %scan3A_166, %mul3A_198 : vector<16xf32>
        %mul3A_200 = arith.constant 4 : i32
        %mul3A_201 = arith.muli %scan3A_165, %mul3A_200 : i32
        %add3A_202 = arith.constant 1 : i32
        %add3A_203 = arith.addi %mul3A_201, %add3A_202 : i32
        %mul3A_204 = arith.constant 16 : i32
        %mul3A_205 = arith.muli %add3A_203, %mul3A_204 : i32
        %get3A_206 = arith.constant 0 : i32
        %get3A_207 = arith.index_cast %get3A_206 : i32 to index
        %get3A_208 = arith.index_cast %mul3A_205 : i32 to index
        %get3A_209 = tpu.vector_load %arg5[%get3A_207, %get3A_208] {strides = array<i32>} : memref<8x1024xf32, #tpu.memory_space<vmem>>, vector<1x16xf32>,
        %get3A_210 = vector.shape_cast %get3A_209 : vector<1x16xf32> to vector<16xf32>
        %mul3A_211 = arith.constant 4 : i32
        %mul3A_212 = arith.muli %scan3A_165, %mul3A_211 : i32
        %add3A_213 = arith.constant 1 : i32
        %add3A_214 = arith.addi %mul3A_212, %add3A_213 : i32
        %mul3A_215 = arith.constant 16 : i32
        %mul3A_216 = arith.muli %add3A_214, %mul3A_215 : i32
        %get3A_217 = arith.index_cast %mul3A_216 : i32 to index
        %get3A_218 = tpu.vector_load %arg6[%get3A_217] {strides = array<i32>} : memref<1024xf32, #tpu.memory_space<vmem>>, vector<16xf32>,
        %get3A_219 = vector.shape_cast %get3A_218 : vector<16xf32> to vector<16xf32>
        %bitcast_convert_type3A_220 = tpu.bitcast %get3A_210 : vector<16xf32> -> vector<16xi32>
        %add3A_221 = arith.constant 32767 : i32
        %add3A_222 = vector.broadcast %add3A_221 : i32 to vector<16xi32>
        %add3A_223 = arith.addi %bitcast_convert_type3A_220, %add3A_222 : vector<16xi32>
        %shift_right_arithmetic3A_224 = arith.constant 16 : i32
        %shift_right_arithmetic3A_225 = vector.broadcast %shift_right_arithmetic3A_224 : i32 to vector<16xi32>
        %shift_right_arithmetic3A_226 = arith.shrsi %bitcast_convert_type3A_220, %shift_right_arithmetic3A_225 : vector<16xi32>
        %and3A_227 = arith.constant 1 : i32
        %and3A_228 = vector.broadcast %and3A_227 : i32 to vector<16xi32>
        %and3A_229 = arith.andi %shift_right_arithmetic3A_226, %and3A_228 : vector<16xi32>
        %add3A_230 = arith.addi %add3A_223, %and3A_229 : vector<16xi32>
        %and3A_231 = arith.constant -65536 : i32
        %and3A_232 = vector.broadcast %and3A_231 : i32 to vector<16xi32>
        %and3A_233 = arith.andi %add3A_230, %and3A_232 : vector<16xi32>
        %bitcast_convert_type3A_234 = tpu.bitcast %and3A_233 : vector<16xi32> -> vector<16xf32>
        %mul3A_235 = arith.mulf %bitcast_convert_type3A_234, %get3A_219 : vector<16xf32>
        %add3A_236 = arith.addf %add3A_199, %mul3A_235 : vector<16xf32>
        %mul3A_237 = arith.constant 4 : i32
        %mul3A_238 = arith.muli %scan3A_165, %mul3A_237 : i32
        %add3A_239 = arith.constant 2 : i32
        %add3A_240 = arith.addi %mul3A_238, %add3A_239 : i32
        %mul3A_241 = arith.constant 16 : i32
        %mul3A_242 = arith.muli %add3A_240, %mul3A_241 : i32
        %get3A_243 = arith.constant 0 : i32
        %get3A_244 = arith.index_cast %get3A_243 : i32 to index
        %get3A_245 = arith.index_cast %mul3A_242 : i32 to index
        %get3A_246 = tpu.vector_load %arg5[%get3A_244, %get3A_245] {strides = array<i32>} : memref<8x1024xf32, #tpu.memory_space<vmem>>, vector<1x16xf32>,
        %get3A_247 = vector.shape_cast %get3A_246 : vector<1x16xf32> to vector<16xf32>
        %mul3A_248 = arith.constant 4 : i32
        %mul3A_249 = arith.muli %scan3A_165, %mul3A_248 : i32
        %add3A_250 = arith.constant 2 : i32
        %add3A_251 = arith.addi %mul3A_249, %add3A_250 : i32
        %mul3A_252 = arith.constant 16 : i32
        %mul3A_253 = arith.muli %add3A_251, %mul3A_252 : i32
        %get3A_254 = arith.index_cast %mul3A_253 : i32 to index
        %get3A_255 = tpu.vector_load %arg6[%get3A_254] {strides = array<i32>} : memref<1024xf32, #tpu.memory_space<vmem>>, vector<16xf32>,
        %get3A_256 = vector.shape_cast %get3A_255 : vector<16xf32> to vector<16xf32>
        %bitcast_convert_type3A_257 = tpu.bitcast %get3A_247 : vector<16xf32> -> vector<16xi32>
        %add3A_258 = arith.constant 32767 : i32
        %add3A_259 = vector.broadcast %add3A_258 : i32 to vector<16xi32>
        %add3A_260 = arith.addi %bitcast_convert_type3A_257, %add3A_259 : vector<16xi32>
        %shift_right_arithmetic3A_261 = arith.constant 16 : i32
        %shift_right_arithmetic3A_262 = vector.broadcast %shift_right_arithmetic3A_261 : i32 to vector<16xi32>
        %shift_right_arithmetic3A_263 = arith.shrsi %bitcast_convert_type3A_257, %shift_right_arithmetic3A_262 : vector<16xi32>
        %and3A_264 = arith.constant 1 : i32
        %and3A_265 = vector.broadcast %and3A_264 : i32 to vector<16xi32>
        %and3A_266 = arith.andi %shift_right_arithmetic3A_263, %and3A_265 : vector<16xi32>
        %add3A_267 = arith.addi %add3A_260, %and3A_266 : vector<16xi32>
        %and3A_268 = arith.constant -65536 : i32
        %and3A_269 = vector.broadcast %and3A_268 : i32 to vector<16xi32>
        %and3A_270 = arith.andi %add3A_267, %and3A_269 : vector<16xi32>
        %bitcast_convert_type3A_271 = tpu.bitcast %and3A_270 : vector<16xi32> -> vector<16xf32>
        %mul3A_272 = arith.mulf %bitcast_convert_type3A_271, %get3A_256 : vector<16xf32>
        %add3A_273 = arith.addf %add3A_236, %mul3A_272 : vector<16xf32>
        %mul3A_274 = arith.constant 4 : i32
        %mul3A_275 = arith.muli %scan3A_165, %mul3A_274 : i32
        %add3A_276 = arith.constant 3 : i32
        %add3A_277 = arith.addi %mul3A_275, %add3A_276 : i32
        %mul3A_278 = arith.constant 16 : i32
        %mul3A_279 = arith.muli %add3A_277, %mul3A_278 : i32
        %get3A_280 = arith.constant 0 : i32
        %get3A_281 = arith.index_cast %get3A_280 : i32 to index
        %get3A_282 = arith.index_cast %mul3A_279 : i32 to index
        %get3A_283 = tpu.vector_load %arg5[%get3A_281, %get3A_282] {strides = array<i32>} : memref<8x1024xf32, #tpu.memory_space<vmem>>, vector<1x16xf32>,
        %get3A_284 = vector.shape_cast %get3A_283 : vector<1x16xf32> to vector<16xf32>
        %mul3A_285 = arith.constant 4 : i32
        %mul3A_286 = arith.muli %scan3A_165, %mul3A_285 : i32
        %add3A_287 = arith.constant 3 : i32
        %add3A_288 = arith.addi %mul3A_286, %add3A_287 : i32
        %mul3A_289 = arith.constant 16 : i32
        %mul3A_290 = arith.muli %add3A_288, %mul3A_289 : i32
        %get3A_291 = arith.index_cast %mul3A_290 : i32 to index
        %get3A_292 = tpu.vector_load %arg6[%get3A_291] {strides = array<i32>} : memref<1024xf32, #tpu.memory_space<vmem>>, vector<16xf32>,
        %get3A_293 = vector.shape_cast %get3A_292 : vector<16xf32> to vector<16xf32>
        %bitcast_convert_type3A_294 = tpu.bitcast %get3A_284 : vector<16xf32> -> vector<16xi32>
        %add3A_295 = arith.constant 32767 : i32
        %add3A_296 = vector.broadcast %add3A_295 : i32 to vector<16xi32>
        %add3A_297 = arith.addi %bitcast_convert_type3A_294, %add3A_296 : vector<16xi32>
        %shift_right_arithmetic3A_298 = arith.constant 16 : i32
        %shift_right_arithmetic3A_299 = vector.broadcast %shift_right_arithmetic3A_298 : i32 to vector<16xi32>
        %shift_right_arithmetic3A_300 = arith.shrsi %bitcast_convert_type3A_294, %shift_right_arithmetic3A_299 : vector<16xi32>
        %and3A_301 = arith.constant 1 : i32
        %and3A_302 = vector.broadcast %and3A_301 : i32 to vector<16xi32>
        %and3A_303 = arith.andi %shift_right_arithmetic3A_300, %and3A_302 : vector<16xi32>
        %add3A_304 = arith.addi %add3A_297, %and3A_303 : vector<16xi32>
        %and3A_305 = arith.constant -65536 : i32
        %and3A_306 = vector.broadcast %and3A_305 : i32 to vector<16xi32>
        %and3A_307 = arith.andi %add3A_304, %and3A_306 : vector<16xi32>
        %bitcast_convert_type3A_308 = tpu.bitcast %and3A_307 : vector<16xi32> -> vector<16xf32>
        %mul3A_309 = arith.mulf %bitcast_convert_type3A_308, %get3A_293 : vector<16xf32>
        %add3A_310 = arith.addf %add3A_273, %mul3A_309 : vector<16xf32>
        scf.yield %add3A_310 : vector<16xf32>
      }
      %scan3A_28 = arith.constant 16 : i32
      %mul3A_29 = arith.constant 8 : i32
      %mul3A_30 = arith.muli %scan3A_13, %mul3A_29 : i32
      %add3A_31 = arith.constant 0 : i32
      %add3A_32 = arith.addi %mul3A_30, %add3A_31 : i32
      %mul3A_33 = arith.constant 16 : i32
      %mul3A_34 = arith.muli %add3A_32, %mul3A_33 : i32
      %swap3A = arith.index_cast %mul3A_34 : i32 to index
      %swap3A_35 = tpu.vector_load %arg7[%swap3A] {strides = array<i32>} : memref<1024xf32, #tpu.memory_space<vmem>>, vector<16xf32>,
      %swap3A_36 = vector.shape_cast %swap3A_35 : vector<16xf32> to vector<16xf32>
      %swap3A_37 = vector.shape_cast %scan3A_27 : vector<16xf32> to vector<16xf32>
      tpu.vector_store %arg7[%swap3A], %swap3A_37 {strides = array<i32>} : memref<1024xf32, #tpu.memory_space<vmem>>, vector<16xf32>,
      %broadcast_in_dim3A_38 = arith.constant 0.000000e+00 : f32
      %broadcast_in_dim3A_39 = vector.broadcast %broadcast_in_dim3A_38 : f32 to vector<16xf32>
      %scan3A_40 = arith.constant 0 : i32
      %scan3A_41 = arith.constant 16 : i32
      %scan3A_42 = arith.addi %scan3A_40, %scan3A_41 : i32
      %scan3A_43 = arith.constant 1 : i32
      %scan3A_44 = scf.for %scan3A_165 = %scan3A_40 to %scan3A_42 step %scan3A_43 iter_args(%scan3A_166 = %broadcast_in_dim3A_39) -> (vector<16xf32>)  : i32 {
        %mul3A_167 = arith.constant 4 : i32
        %mul3A_168 = arith.muli %scan3A_165, %mul3A_167 : i32
        %add3A_169 = arith.constant 0 : i32
        %add3A_170 = arith.addi %mul3A_168, %add3A_169 : i32
        %mul3A_171 = arith.constant 16 : i32
        %mul3A_172 = arith.muli %add3A_170, %mul3A_171 : i32
        %get3A = arith.constant 1 : i32
        %get3A_173 = arith.index_cast %get3A : i32 to index
        %get3A_174 = arith.index_cast %mul3A_172 : i32 to index
        %get3A_175 = tpu.vector_load %arg5[%get3A_173, %get3A_174] {strides = array<i32>} : memref<8x1024xf32, #tpu.memory_space<vmem>>, vector<1x16xf32>,
        %get3A_176 = vector.shape_cast %get3A_175 : vector<1x16xf32> to vector<16xf32>
        %mul3A_177 = arith.constant 4 : i32
        %mul3A_178 = arith.muli %scan3A_165, %mul3A_177 : i32
        %add3A_179 = arith.constant 0 : i32
        %add3A_180 = arith.addi %mul3A_178, %add3A_179 : i32
        %mul3A_181 = arith.constant 16 : i32
        %mul3A_182 = arith.muli %add3A_180, %mul3A_181 : i32
        %get3A_183 = arith.index_cast %mul3A_182 : i32 to index
        %get3A_184 = tpu.vector_load %arg6[%get3A_183] {strides = array<i32>} : memref<1024xf32, #tpu.memory_space<vmem>>, vector<16xf32>,
        %get3A_185 = vector.shape_cast %get3A_184 : vector<16xf32> to vector<16xf32>
        %bitcast_convert_type3A = tpu.bitcast %get3A_176 : vector<16xf32> -> vector<16xi32>
        %add3A_186 = arith.constant 32767 : i32
        %add3A_187 = vector.broadcast %add3A_186 : i32 to vector<16xi32>
        %add3A_188 = arith.addi %bitcast_convert_type3A, %add3A_187 : vector<16xi32>
        %shift_right_arithmetic3A = arith.constant 16 : i32
        %shift_right_arithmetic3A_189 = vector.broadcast %shift_right_arithmetic3A : i32 to vector<16xi32>
        %shift_right_arithmetic3A_190 = arith.shrsi %bitcast_convert_type3A, %shift_right_arithmetic3A_189 : vector<16xi32>
        %and3A = arith.constant 1 : i32
        %and3A_191 = vector.broadcast %and3A : i32 to vector<16xi32>
        %and3A_192 = arith.andi %shift_right_arithmetic3A_190, %and3A_191 : vector<16xi32>
        %add3A_193 = arith.addi %add3A_188, %and3A_192 : vector<16xi32>
        %and3A_194 = arith.constant -65536 : i32
        %and3A_195 = vector.broadcast %and3A_194 : i32 to vector<16xi32>
        %and3A_196 = arith.andi %add3A_193, %and3A_195 : vector<16xi32>
        %bitcast_convert_type3A_197 = tpu.bitcast %and3A_196 : vector<16xi32> -> vector<16xf32>
        %mul3A_198 = arith.mulf %bitcast_convert_type3A_197, %get3A_185 : vector<16xf32>
        %add3A_199 = arith.addf %scan3A_166, %mul3A_198 : vector<16xf32>
        %mul3A_200 = arith.constant 4 : i32
        %mul3A_201 = arith.muli %scan3A_165, %mul3A_200 : i32
        %add3A_202 = arith.constant 1 : i32
        %add3A_203 = arith.addi %mul3A_201, %add3A_202 : i32
        %mul3A_204 = arith.constant 16 : i32
        %mul3A_205 = arith.muli %add3A_203, %mul3A_204 : i32
        %get3A_206 = arith.constant 1 : i32
        %get3A_207 = arith.index_cast %get3A_206 : i32 to index
        %get3A_208 = arith.index_cast %mul3A_205 : i32 to index
        %get3A_209 = tpu.vector_load %arg5[%get3A_207, %get3A_208] {strides = array<i32>} : memref<8x1024xf32, #tpu.memory_space<vmem>>, vector<1x16xf32>,
        %get3A_210 = vector.shape_cast %get3A_209 : vector<1x16xf32> to vector<16xf32>
        %mul3A_211 = arith.constant 4 : i32
        %mul3A_212 = arith.muli %scan3A_165, %mul3A_211 : i32
        %add3A_213 = arith.constant 1 : i32
        %add3A_214 = arith.addi %mul3A_212, %add3A_213 : i32
        %mul3A_215 = arith.constant 16 : i32
        %mul3A_216 = arith.muli %add3A_214, %mul3A_215 : i32
        %get3A_217 = arith.index_cast %mul3A_216 : i32 to index
        %get3A_218 = tpu.vector_load %arg6[%get3A_217] {strides = array<i32>} : memref<1024xf32, #tpu.memory_space<vmem>>, vector<16xf32>,
        %get3A_219 = vector.shape_cast %get3A_218 : vector<16xf32> to vector<16xf32>
        %bitcast_convert_type3A_220 = tpu.bitcast %get3A_210 : vector<16xf32> -> vector<16xi32>
        %add3A_221 = arith.constant 32767 : i32
        %add3A_222 = vector.broadcast %add3A_221 : i32 to vector<16xi32>
        %add3A_223 = arith.addi %bitcast_convert_type3A_220, %add3A_222 : vector<16xi32>
        %shift_right_arithmetic3A_224 = arith.constant 16 : i32
        %shift_right_arithmetic3A_225 = vector.broadcast %shift_right_arithmetic3A_224 : i32 to vector<16xi32>
        %shift_right_arithmetic3A_226 = arith.shrsi %bitcast_convert_type3A_220, %shift_right_arithmetic3A_225 : vector<16xi32>
        %and3A_227 = arith.constant 1 : i32
        %and3A_228 = vector.broadcast %and3A_227 : i32 to vector<16xi32>
        %and3A_229 = arith.andi %shift_right_arithmetic3A_226, %and3A_228 : vector<16xi32>
        %add3A_230 = arith.addi %add3A_223, %and3A_229 : vector<16xi32>
        %and3A_231 = arith.constant -65536 : i32
        %and3A_232 = vector.broadcast %and3A_231 : i32 to vector<16xi32>
        %and3A_233 = arith.andi %add3A_230, %and3A_232 : vector<16xi32>
        %bitcast_convert_type3A_234 = tpu.bitcast %and3A_233 : vector<16xi32> -> vector<16xf32>
        %mul3A_235 = arith.mulf %bitcast_convert_type3A_234, %get3A_219 : vector<16xf32>
        %add3A_236 = arith.addf %add3A_199, %mul3A_235 : vector<16xf32>
        %mul3A_237 = arith.constant 4 : i32
        %mul3A_238 = arith.muli %scan3A_165, %mul3A_237 : i32
        %add3A_239 = arith.constant 2 : i32
        %add3A_240 = arith.addi %mul3A_238, %add3A_239 : i32
        %mul3A_241 = arith.constant 16 : i32
        %mul3A_242 = arith.muli %add3A_240, %mul3A_241 : i32
        %get3A_243 = arith.constant 1 : i32
        %get3A_244 = arith.index_cast %get3A_243 : i32 to index
        %get3A_245 = arith.index_cast %mul3A_242 : i32 to index
        %get3A_246 = tpu.vector_load %arg5[%get3A_244, %get3A_245] {strides = array<i32>} : memref<8x1024xf32, #tpu.memory_space<vmem>>, vector<1x16xf32>,
        %get3A_247 = vector.shape_cast %get3A_246 : vector<1x16xf32> to vector<16xf32>
        %mul3A_248 = arith.constant 4 : i32
        %mul3A_249 = arith.muli %scan3A_165, %mul3A_248 : i32
        %add3A_250 = arith.constant 2 : i32
        %add3A_251 = arith.addi %mul3A_249, %add3A_250 : i32
        %mul3A_252 = arith.constant 16 : i32
        %mul3A_253 = arith.muli %add3A_251, %mul3A_252 : i32
        %get3A_254 = arith.index_cast %mul3A_253 : i32 to index
        %get3A_255 = tpu.vector_load %arg6[%get3A_254] {strides = array<i32>} : memref<1024xf32, #tpu.memory_space<vmem>>, vector<16xf32>,
        %get3A_256 = vector.shape_cast %get3A_255 : vector<16xf32> to vector<16xf32>
        %bitcast_convert_type3A_257 = tpu.bitcast %get3A_247 : vector<16xf32> -> vector<16xi32>
        %add3A_258 = arith.constant 32767 : i32
        %add3A_259 = vector.broadcast %add3A_258 : i32 to vector<16xi32>
        %add3A_260 = arith.addi %bitcast_convert_type3A_257, %add3A_259 : vector<16xi32>
        %shift_right_arithmetic3A_261 = arith.constant 16 : i32
        %shift_right_arithmetic3A_262 = vector.broadcast %shift_right_arithmetic3A_261 : i32 to vector<16xi32>
        %shift_right_arithmetic3A_263 = arith.shrsi %bitcast_convert_type3A_257, %shift_right_arithmetic3A_262 : vector<16xi32>
        %and3A_264 = arith.constant 1 : i32
        %and3A_265 = vector.broadcast %and3A_264 : i32 to vector<16xi32>
        %and3A_266 = arith.andi %shift_right_arithmetic3A_263, %and3A_265 : vector<16xi32>
        %add3A_267 = arith.addi %add3A_260, %and3A_266 : vector<16xi32>
        %and3A_268 = arith.constant -65536 : i32
        %and3A_269 = vector.broadcast %and3A_268 : i32 to vector<16xi32>
        %and3A_270 = arith.andi %add3A_267, %and3A_269 : vector<16xi32>
        %bitcast_convert_type3A_271 = tpu.bitcast %and3A_270 : vector<16xi32> -> vector<16xf32>
        %mul3A_272 = arith.mulf %bitcast_convert_type3A_271, %get3A_256 : vector<16xf32>
        %add3A_273 = arith.addf %add3A_236, %mul3A_272 : vector<16xf32>
        %mul3A_274 = arith.constant 4 : i32
        %mul3A_275 = arith.muli %scan3A_165, %mul3A_274 : i32
        %add3A_276 = arith.constant 3 : i32
        %add3A_277 = arith.addi %mul3A_275, %add3A_276 : i32
        %mul3A_278 = arith.constant 16 : i32
        %mul3A_279 = arith.muli %add3A_277, %mul3A_278 : i32
        %get3A_280 = arith.constant 1 : i32
        %get3A_281 = arith.index_cast %get3A_280 : i32 to index
        %get3A_282 = arith.index_cast %mul3A_279 : i32 to index
        %get3A_283 = tpu.vector_load %arg5[%get3A_281, %get3A_282] {strides = array<i32>} : memref<8x1024xf32, #tpu.memory_space<vmem>>, vector<1x16xf32>,
        %get3A_284 = vector.shape_cast %get3A_283 : vector<1x16xf32> to vector<16xf32>
        %mul3A_285 = arith.constant 4 : i32
        %mul3A_286 = arith.muli %scan3A_165, %mul3A_285 : i32
        %add3A_287 = arith.constant 3 : i32
        %add3A_288 = arith.addi %mul3A_286, %add3A_287 : i32
        %mul3A_289 = arith.constant 16 : i32
        %mul3A_290 = arith.muli %add3A_288, %mul3A_289 : i32
        %get3A_291 = arith.index_cast %mul3A_290 : i32 to index
        %get3A_292 = tpu.vector_load %arg6[%get3A_291] {strides = array<i32>} : memref<1024xf32, #tpu.memory_space<vmem>>, vector<16xf32>,
        %get3A_293 = vector.shape_cast %get3A_292 : vector<16xf32> to vector<16xf32>
        %bitcast_convert_type3A_294 = tpu.bitcast %get3A_284 : vector<16xf32> -> vector<16xi32>
        %add3A_295 = arith.constant 32767 : i32
        %add3A_296 = vector.broadcast %add3A_295 : i32 to vector<16xi32>
        %add3A_297 = arith.addi %bitcast_convert_type3A_294, %add3A_296 : vector<16xi32>
        %shift_right_arithmetic3A_298 = arith.constant 16 : i32
        %shift_right_arithmetic3A_299 = vector.broadcast %shift_right_arithmetic3A_298 : i32 to vector<16xi32>
        %shift_right_arithmetic3A_300 = arith.shrsi %bitcast_convert_type3A_294, %shift_right_arithmetic3A_299 : vector<16xi32>
        %and3A_301 = arith.constant 1 : i32
        %and3A_302 = vector.broadcast %and3A_301 : i32 to vector<16xi32>
        %and3A_303 = arith.andi %shift_right_arithmetic3A_300, %and3A_302 : vector<16xi32>
        %add3A_304 = arith.addi %add3A_297, %and3A_303 : vector<16xi32>
        %and3A_305 = arith.constant -65536 : i32
        %and3A_306 = vector.broadcast %and3A_305 : i32 to vector<16xi32>
        %and3A_307 = arith.andi %add3A_304, %and3A_306 : vector<16xi32>
        %bitcast_convert_type3A_308 = tpu.bitcast %and3A_307 : vector<16xi32> -> vector<16xf32>
        %mul3A_309 = arith.mulf %bitcast_convert_type3A_308, %get3A_293 : vector<16xf32>
        %add3A_310 = arith.addf %add3A_273, %mul3A_309 : vector<16xf32>
        scf.yield %add3A_310 : vector<16xf32>
      }
      %scan3A_45 = arith.constant 16 : i32
      %mul3A_46 = arith.constant 8 : i32
      %mul3A_47 = arith.muli %scan3A_13, %mul3A_46 : i32
      %add3A_48 = arith.constant 1 : i32
      %add3A_49 = arith.addi %mul3A_47, %add3A_48 : i32
      %mul3A_50 = arith.constant 16 : i32
      %mul3A_51 = arith.muli %add3A_49, %mul3A_50 : i32
      %swap3A_52 = arith.index_cast %mul3A_51 : i32 to index
      %swap3A_53 = tpu.vector_load %arg7[%swap3A_52] {strides = array<i32>} : memref<1024xf32, #tpu.memory_space<vmem>>, vector<16xf32>,
      %swap3A_54 = vector.shape_cast %swap3A_53 : vector<16xf32> to vector<16xf32>
      %swap3A_55 = vector.shape_cast %scan3A_44 : vector<16xf32> to vector<16xf32>
      tpu.vector_store %arg7[%swap3A_52], %swap3A_55 {strides = array<i32>} : memref<1024xf32, #tpu.memory_space<vmem>>, vector<16xf32>,
      %broadcast_in_dim3A_56 = arith.constant 0.000000e+00 : f32
      %broadcast_in_dim3A_57 = vector.broadcast %broadcast_in_dim3A_56 : f32 to vector<16xf32>
      %scan3A_58 = arith.constant 0 : i32
      %scan3A_59 = arith.constant 16 : i32
      %scan3A_60 = arith.addi %scan3A_58, %scan3A_59 : i32
      %scan3A_61 = arith.constant 1 : i32
      %scan3A_62 = scf.for %scan3A_165 = %scan3A_58 to %scan3A_60 step %scan3A_61 iter_args(%scan3A_166 = %broadcast_in_dim3A_57) -> (vector<16xf32>)  : i32 {
        %mul3A_167 = arith.constant 4 : i32
        %mul3A_168 = arith.muli %scan3A_165, %mul3A_167 : i32
        %add3A_169 = arith.constant 0 : i32
        %add3A_170 = arith.addi %mul3A_168, %add3A_169 : i32
        %mul3A_171 = arith.constant 16 : i32
        %mul3A_172 = arith.muli %add3A_170, %mul3A_171 : i32
        %get3A = arith.constant 2 : i32
        %get3A_173 = arith.index_cast %get3A : i32 to index
        %get3A_174 = arith.index_cast %mul3A_172 : i32 to index
        %get3A_175 = tpu.vector_load %arg5[%get3A_173, %get3A_174] {strides = array<i32>} : memref<8x1024xf32, #tpu.memory_space<vmem>>, vector<1x16xf32>,
        %get3A_176 = vector.shape_cast %get3A_175 : vector<1x16xf32> to vector<16xf32>
        %mul3A_177 = arith.constant 4 : i32
        %mul3A_178 = arith.muli %scan3A_165, %mul3A_177 : i32
        %add3A_179 = arith.constant 0 : i32
        %add3A_180 = arith.addi %mul3A_178, %add3A_179 : i32
        %mul3A_181 = arith.constant 16 : i32
        %mul3A_182 = arith.muli %add3A_180, %mul3A_181 : i32
        %get3A_183 = arith.index_cast %mul3A_182 : i32 to index
        %get3A_184 = tpu.vector_load %arg6[%get3A_183] {strides = array<i32>} : memref<1024xf32, #tpu.memory_space<vmem>>, vector<16xf32>,
        %get3A_185 = vector.shape_cast %get3A_184 : vector<16xf32> to vector<16xf32>
        %bitcast_convert_type3A = tpu.bitcast %get3A_176 : vector<16xf32> -> vector<16xi32>
        %add3A_186 = arith.constant 32767 : i32
        %add3A_187 = vector.broadcast %add3A_186 : i32 to vector<16xi32>
        %add3A_188 = arith.addi %bitcast_convert_type3A, %add3A_187 : vector<16xi32>
        %shift_right_arithmetic3A = arith.constant 16 : i32
        %shift_right_arithmetic3A_189 = vector.broadcast %shift_right_arithmetic3A : i32 to vector<16xi32>
        %shift_right_arithmetic3A_190 = arith.shrsi %bitcast_convert_type3A, %shift_right_arithmetic3A_189 : vector<16xi32>
        %and3A = arith.constant 1 : i32
        %and3A_191 = vector.broadcast %and3A : i32 to vector<16xi32>
        %and3A_192 = arith.andi %shift_right_arithmetic3A_190, %and3A_191 : vector<16xi32>
        %add3A_193 = arith.addi %add3A_188, %and3A_192 : vector<16xi32>
        %and3A_194 = arith.constant -65536 : i32
        %and3A_195 = vector.broadcast %and3A_194 : i32 to vector<16xi32>
        %and3A_196 = arith.andi %add3A_193, %and3A_195 : vector<16xi32>
        %bitcast_convert_type3A_197 = tpu.bitcast %and3A_196 : vector<16xi32> -> vector<16xf32>
        %mul3A_198 = arith.mulf %bitcast_convert_type3A_197, %get3A_185 : vector<16xf32>
        %add3A_199 = arith.addf %scan3A_166, %mul3A_198 : vector<16xf32>
        %mul3A_200 = arith.constant 4 : i32
        %mul3A_201 = arith.muli %scan3A_165, %mul3A_200 : i32
        %add3A_202 = arith.constant 1 : i32
        %add3A_203 = arith.addi %mul3A_201, %add3A_202 : i32
        %mul3A_204 = arith.constant 16 : i32
        %mul3A_205 = arith.muli %add3A_203, %mul3A_204 : i32
        %get3A_206 = arith.constant 2 : i32
        %get3A_207 = arith.index_cast %get3A_206 : i32 to index
        %get3A_208 = arith.index_cast %mul3A_205 : i32 to index
        %get3A_209 = tpu.vector_load %arg5[%get3A_207, %get3A_208] {strides = array<i32>} : memref<8x1024xf32, #tpu.memory_space<vmem>>, vector<1x16xf32>,
        %get3A_210 = vector.shape_cast %get3A_209 : vector<1x16xf32> to vector<16xf32>
        %mul3A_211 = arith.constant 4 : i32
        %mul3A_212 = arith.muli %scan3A_165, %mul3A_211 : i32
        %add3A_213 = arith.constant 1 : i32
        %add3A_214 = arith.addi %mul3A_212, %add3A_213 : i32
        %mul3A_215 = arith.constant 16 : i32
        %mul3A_216 = arith.muli %add3A_214, %mul3A_215 : i32
        %get3A_217 = arith.index_cast %mul3A_216 : i32 to index
        %get3A_218 = tpu.vector_load %arg6[%get3A_217] {strides = array<i32>} : memref<1024xf32, #tpu.memory_space<vmem>>, vector<16xf32>,
        %get3A_219 = vector.shape_cast %get3A_218 : vector<16xf32> to vector<16xf32>
        %bitcast_convert_type3A_220 = tpu.bitcast %get3A_210 : vector<16xf32> -> vector<16xi32>
        %add3A_221 = arith.constant 32767 : i32
        %add3A_222 = vector.broadcast %add3A_221 : i32 to vector<16xi32>
        %add3A_223 = arith.addi %bitcast_convert_type3A_220, %add3A_222 : vector<16xi32>
        %shift_right_arithmetic3A_224 = arith.constant 16 : i32
        %shift_right_arithmetic3A_225 = vector.broadcast %shift_right_arithmetic3A_224 : i32 to vector<16xi32>
        %shift_right_arithmetic3A_226 = arith.shrsi %bitcast_convert_type3A_220, %shift_right_arithmetic3A_225 : vector<16xi32>
        %and3A_227 = arith.constant 1 : i32
        %and3A_228 = vector.broadcast %and3A_227 : i32 to vector<16xi32>
        %and3A_229 = arith.andi %shift_right_arithmetic3A_226, %and3A_228 : vector<16xi32>
        %add3A_230 = arith.addi %add3A_223, %and3A_229 : vector<16xi32>
        %and3A_231 = arith.constant -65536 : i32
        %and3A_232 = vector.broadcast %and3A_231 : i32 to vector<16xi32>
        %and3A_233 = arith.andi %add3A_230, %and3A_232 : vector<16xi32>
        %bitcast_convert_type3A_234 = tpu.bitcast %and3A_233 : vector<16xi32> -> vector<16xf32>
        %mul3A_235 = arith.mulf %bitcast_convert_type3A_234, %get3A_219 : vector<16xf32>
        %add3A_236 = arith.addf %add3A_199, %mul3A_235 : vector<16xf32>
        %mul3A_237 = arith.constant 4 : i32
        %mul3A_238 = arith.muli %scan3A_165, %mul3A_237 : i32
        %add3A_239 = arith.constant 2 : i32
        %add3A_240 = arith.addi %mul3A_238, %add3A_239 : i32
        %mul3A_241 = arith.constant 16 : i32
        %mul3A_242 = arith.muli %add3A_240, %mul3A_241 : i32
        %get3A_243 = arith.constant 2 : i32
        %get3A_244 = arith.index_cast %get3A_243 : i32 to index
        %get3A_245 = arith.index_cast %mul3A_242 : i32 to index
        %get3A_246 = tpu.vector_load %arg5[%get3A_244, %get3A_245] {strides = array<i32>} : memref<8x1024xf32, #tpu.memory_space<vmem>>, vector<1x16xf32>,
        %get3A_247 = vector.shape_cast %get3A_246 : vector<1x16xf32> to vector<16xf32>
        %mul3A_248 = arith.constant 4 : i32
        %mul3A_249 = arith.muli %scan3A_165, %mul3A_248 : i32
        %add3A_250 = arith.constant 2 : i32
        %add3A_251 = arith.addi %mul3A_249, %add3A_250 : i32
        %mul3A_252 = arith.constant 16 : i32
        %mul3A_253 = arith.muli %add3A_251, %mul3A_252 : i32
        %get3A_254 = arith.index_cast %mul3A_253 : i32 to index
        %get3A_255 = tpu.vector_load %arg6[%get3A_254] {strides = array<i32>} : memref<1024xf32, #tpu.memory_space<vmem>>, vector<16xf32>,
        %get3A_256 = vector.shape_cast %get3A_255 : vector<16xf32> to vector<16xf32>
        %bitcast_convert_type3A_257 = tpu.bitcast %get3A_247 : vector<16xf32> -> vector<16xi32>
        %add3A_258 = arith.constant 32767 : i32
        %add3A_259 = vector.broadcast %add3A_258 : i32 to vector<16xi32>
        %add3A_260 = arith.addi %bitcast_convert_type3A_257, %add3A_259 : vector<16xi32>
        %shift_right_arithmetic3A_261 = arith.constant 16 : i32
        %shift_right_arithmetic3A_262 = vector.broadcast %shift_right_arithmetic3A_261 : i32 to vector<16xi32>
        %shift_right_arithmetic3A_263 = arith.shrsi %bitcast_convert_type3A_257, %shift_right_arithmetic3A_262 : vector<16xi32>
        %and3A_264 = arith.constant 1 : i32
        %and3A_265 = vector.broadcast %and3A_264 : i32 to vector<16xi32>
        %and3A_266 = arith.andi %shift_right_arithmetic3A_263, %and3A_265 : vector<16xi32>
        %add3A_267 = arith.addi %add3A_260, %and3A_266 : vector<16xi32>
        %and3A_268 = arith.constant -65536 : i32
        %and3A_269 = vector.broadcast %and3A_268 : i32 to vector<16xi32>
        %and3A_270 = arith.andi %add3A_267, %and3A_269 : vector<16xi32>
        %bitcast_convert_type3A_271 = tpu.bitcast %and3A_270 : vector<16xi32> -> vector<16xf32>
        %mul3A_272 = arith.mulf %bitcast_convert_type3A_271, %get3A_256 : vector<16xf32>
        %add3A_273 = arith.addf %add3A_236, %mul3A_272 : vector<16xf32>
        %mul3A_274 = arith.constant 4 : i32
        %mul3A_275 = arith.muli %scan3A_165, %mul3A_274 : i32
        %add3A_276 = arith.constant 3 : i32
        %add3A_277 = arith.addi %mul3A_275, %add3A_276 : i32
        %mul3A_278 = arith.constant 16 : i32
        %mul3A_279 = arith.muli %add3A_277, %mul3A_278 : i32
        %get3A_280 = arith.constant 2 : i32
        %get3A_281 = arith.index_cast %get3A_280 : i32 to index
        %get3A_282 = arith.index_cast %mul3A_279 : i32 to index
        %get3A_283 = tpu.vector_load %arg5[%get3A_281, %get3A_282] {strides = array<i32>} : memref<8x1024xf32, #tpu.memory_space<vmem>>, vector<1x16xf32>,
        %get3A_284 = vector.shape_cast %get3A_283 : vector<1x16xf32> to vector<16xf32>
        %mul3A_285 = arith.constant 4 : i32
        %mul3A_286 = arith.muli %scan3A_165, %mul3A_285 : i32
        %add3A_287 = arith.constant 3 : i32
        %add3A_288 = arith.addi %mul3A_286, %add3A_287 : i32
        %mul3A_289 = arith.constant 16 : i32
        %mul3A_290 = arith.muli %add3A_288, %mul3A_289 : i32
        %get3A_291 = arith.index_cast %mul3A_290 : i32 to index
        %get3A_292 = tpu.vector_load %arg6[%get3A_291] {strides = array<i32>} : memref<1024xf32, #tpu.memory_space<vmem>>, vector<16xf32>,
        %get3A_293 = vector.shape_cast %get3A_292 : vector<16xf32> to vector<16xf32>
        %bitcast_convert_type3A_294 = tpu.bitcast %get3A_284 : vector<16xf32> -> vector<16xi32>
        %add3A_295 = arith.constant 32767 : i32
        %add3A_296 = vector.broadcast %add3A_295 : i32 to vector<16xi32>
        %add3A_297 = arith.addi %bitcast_convert_type3A_294, %add3A_296 : vector<16xi32>
        %shift_right_arithmetic3A_298 = arith.constant 16 : i32
        %shift_right_arithmetic3A_299 = vector.broadcast %shift_right_arithmetic3A_298 : i32 to vector<16xi32>
        %shift_right_arithmetic3A_300 = arith.shrsi %bitcast_convert_type3A_294, %shift_right_arithmetic3A_299 : vector<16xi32>
        %and3A_301 = arith.constant 1 : i32
        %and3A_302 = vector.broadcast %and3A_301 : i32 to vector<16xi32>
        %and3A_303 = arith.andi %shift_right_arithmetic3A_300, %and3A_302 : vector<16xi32>
        %add3A_304 = arith.addi %add3A_297, %and3A_303 : vector<16xi32>
        %and3A_305 = arith.constant -65536 : i32
        %and3A_306 = vector.broadcast %and3A_305 : i32 to vector<16xi32>
        %and3A_307 = arith.andi %add3A_304, %and3A_306 : vector<16xi32>
        %bitcast_convert_type3A_308 = tpu.bitcast %and3A_307 : vector<16xi32> -> vector<16xf32>
        %mul3A_309 = arith.mulf %bitcast_convert_type3A_308, %get3A_293 : vector<16xf32>
        %add3A_310 = arith.addf %add3A_273, %mul3A_309 : vector<16xf32>
        scf.yield %add3A_310 : vector<16xf32>
      }
      %scan3A_63 = arith.constant 16 : i32
      %mul3A_64 = arith.constant 8 : i32
      %mul3A_65 = arith.muli %scan3A_13, %mul3A_64 : i32
      %add3A_66 = arith.constant 2 : i32
      %add3A_67 = arith.addi %mul3A_65, %add3A_66 : i32
      %mul3A_68 = arith.constant 16 : i32
      %mul3A_69 = arith.muli %add3A_67, %mul3A_68 : i32
      %swap3A_70 = arith.index_cast %mul3A_69 : i32 to index
      %swap3A_71 = tpu.vector_load %arg7[%swap3A_70] {strides = array<i32>} : memref<1024xf32, #tpu.memory_space<vmem>>, vector<16xf32>,
      %swap3A_72 = vector.shape_cast %swap3A_71 : vector<16xf32> to vector<16xf32>
      %swap3A_73 = vector.shape_cast %scan3A_62 : vector<16xf32> to vector<16xf32>
      tpu.vector_store %arg7[%swap3A_70], %swap3A_73 {strides = array<i32>} : memref<1024xf32, #tpu.memory_space<vmem>>, vector<16xf32>,
      %broadcast_in_dim3A_74 = arith.constant 0.000000e+00 : f32
      %broadcast_in_dim3A_75 = vector.broadcast %broadcast_in_dim3A_74 : f32 to vector<16xf32>
      %scan3A_76 = arith.constant 0 : i32
      %scan3A_77 = arith.constant 16 : i32
      %scan3A_78 = arith.addi %scan3A_76, %scan3A_77 : i32
      %scan3A_79 = arith.constant 1 : i32
      %scan3A_80 = scf.for %scan3A_165 = %scan3A_76 to %scan3A_78 step %scan3A_79 iter_args(%scan3A_166 = %broadcast_in_dim3A_75) -> (vector<16xf32>)  : i32 {
        %mul3A_167 = arith.constant 4 : i32
        %mul3A_168 = arith.muli %scan3A_165, %mul3A_167 : i32
        %add3A_169 = arith.constant 0 : i32
        %add3A_170 = arith.addi %mul3A_168, %add3A_169 : i32
        %mul3A_171 = arith.constant 16 : i32
        %mul3A_172 = arith.muli %add3A_170, %mul3A_171 : i32
        %get3A = arith.constant 3 : i32
        %get3A_173 = arith.index_cast %get3A : i32 to index
        %get3A_174 = arith.index_cast %mul3A_172 : i32 to index
        %get3A_175 = tpu.vector_load %arg5[%get3A_173, %get3A_174] {strides = array<i32>} : memref<8x1024xf32, #tpu.memory_space<vmem>>, vector<1x16xf32>,
        %get3A_176 = vector.shape_cast %get3A_175 : vector<1x16xf32> to vector<16xf32>
        %mul3A_177 = arith.constant 4 : i32
        %mul3A_178 = arith.muli %scan3A_165, %mul3A_177 : i32
        %add3A_179 = arith.constant 0 : i32
        %add3A_180 = arith.addi %mul3A_178, %add3A_179 : i32
        %mul3A_181 = arith.constant 16 : i32
        %mul3A_182 = arith.muli %add3A_180, %mul3A_181 : i32
        %get3A_183 = arith.index_cast %mul3A_182 : i32 to index
        %get3A_184 = tpu.vector_load %arg6[%get3A_183] {strides = array<i32>} : memref<1024xf32, #tpu.memory_space<vmem>>, vector<16xf32>,
        %get3A_185 = vector.shape_cast %get3A_184 : vector<16xf32> to vector<16xf32>
        %bitcast_convert_type3A = tpu.bitcast %get3A_176 : vector<16xf32> -> vector<16xi32>
        %add3A_186 = arith.constant 32767 : i32
        %add3A_187 = vector.broadcast %add3A_186 : i32 to vector<16xi32>
        %add3A_188 = arith.addi %bitcast_convert_type3A, %add3A_187 : vector<16xi32>
        %shift_right_arithmetic3A = arith.constant 16 : i32
        %shift_right_arithmetic3A_189 = vector.broadcast %shift_right_arithmetic3A : i32 to vector<16xi32>
        %shift_right_arithmetic3A_190 = arith.shrsi %bitcast_convert_type3A, %shift_right_arithmetic3A_189 : vector<16xi32>
        %and3A = arith.constant 1 : i32
        %and3A_191 = vector.broadcast %and3A : i32 to vector<16xi32>
        %and3A_192 = arith.andi %shift_right_arithmetic3A_190, %and3A_191 : vector<16xi32>
        %add3A_193 = arith.addi %add3A_188, %and3A_192 : vector<16xi32>
        %and3A_194 = arith.constant -65536 : i32
        %and3A_195 = vector.broadcast %and3A_194 : i32 to vector<16xi32>
        %and3A_196 = arith.andi %add3A_193, %and3A_195 : vector<16xi32>
        %bitcast_convert_type3A_197 = tpu.bitcast %and3A_196 : vector<16xi32> -> vector<16xf32>
        %mul3A_198 = arith.mulf %bitcast_convert_type3A_197, %get3A_185 : vector<16xf32>
        %add3A_199 = arith.addf %scan3A_166, %mul3A_198 : vector<16xf32>
        %mul3A_200 = arith.constant 4 : i32
        %mul3A_201 = arith.muli %scan3A_165, %mul3A_200 : i32
        %add3A_202 = arith.constant 1 : i32
        %add3A_203 = arith.addi %mul3A_201, %add3A_202 : i32
        %mul3A_204 = arith.constant 16 : i32
        %mul3A_205 = arith.muli %add3A_203, %mul3A_204 : i32
        %get3A_206 = arith.constant 3 : i32
        %get3A_207 = arith.index_cast %get3A_206 : i32 to index
        %get3A_208 = arith.index_cast %mul3A_205 : i32 to index
        %get3A_209 = tpu.vector_load %arg5[%get3A_207, %get3A_208] {strides = array<i32>} : memref<8x1024xf32, #tpu.memory_space<vmem>>, vector<1x16xf32>,
        %get3A_210 = vector.shape_cast %get3A_209 : vector<1x16xf32> to vector<16xf32>
        %mul3A_211 = arith.constant 4 : i32
        %mul3A_212 = arith.muli %scan3A_165, %mul3A_211 : i32
        %add3A_213 = arith.constant 1 : i32
        %add3A_214 = arith.addi %mul3A_212, %add3A_213 : i32
        %mul3A_215 = arith.constant 16 : i32
        %mul3A_216 = arith.muli %add3A_214, %mul3A_215 : i32
        %get3A_217 = arith.index_cast %mul3A_216 : i32 to index
        %get3A_218 = tpu.vector_load %arg6[%get3A_217] {strides = array<i32>} : memref<1024xf32, #tpu.memory_space<vmem>>, vector<16xf32>,
        %get3A_219 = vector.shape_cast %get3A_218 : vector<16xf32> to vector<16xf32>
        %bitcast_convert_type3A_220 = tpu.bitcast %get3A_210 : vector<16xf32> -> vector<16xi32>
        %add3A_221 = arith.constant 32767 : i32
        %add3A_222 = vector.broadcast %add3A_221 : i32 to vector<16xi32>
        %add3A_223 = arith.addi %bitcast_convert_type3A_220, %add3A_222 : vector<16xi32>
        %shift_right_arithmetic3A_224 = arith.constant 16 : i32
        %shift_right_arithmetic3A_225 = vector.broadcast %shift_right_arithmetic3A_224 : i32 to vector<16xi32>
        %shift_right_arithmetic3A_226 = arith.shrsi %bitcast_convert_type3A_220, %shift_right_arithmetic3A_225 : vector<16xi32>
        %and3A_227 = arith.constant 1 : i32
        %and3A_228 = vector.broadcast %and3A_227 : i32 to vector<16xi32>
        %and3A_229 = arith.andi %shift_right_arithmetic3A_226, %and3A_228 : vector<16xi32>
        %add3A_230 = arith.addi %add3A_223, %and3A_229 : vector<16xi32>
        %and3A_231 = arith.constant -65536 : i32
        %and3A_232 = vector.broadcast %and3A_231 : i32 to vector<16xi32>
        %and3A_233 = arith.andi %add3A_230, %and3A_232 : vector<16xi32>
        %bitcast_convert_type3A_234 = tpu.bitcast %and3A_233 : vector<16xi32> -> vector<16xf32>
        %mul3A_235 = arith.mulf %bitcast_convert_type3A_234, %get3A_219 : vector<16xf32>
        %add3A_236 = arith.addf %add3A_199, %mul3A_235 : vector<16xf32>
        %mul3A_237 = arith.constant 4 : i32
        %mul3A_238 = arith.muli %scan3A_165, %mul3A_237 : i32
        %add3A_239 = arith.constant 2 : i32
        %add3A_240 = arith.addi %mul3A_238, %add3A_239 : i32
        %mul3A_241 = arith.constant 16 : i32
        %mul3A_242 = arith.muli %add3A_240, %mul3A_241 : i32
        %get3A_243 = arith.constant 3 : i32
        %get3A_244 = arith.index_cast %get3A_243 : i32 to index
        %get3A_245 = arith.index_cast %mul3A_242 : i32 to index
        %get3A_246 = tpu.vector_load %arg5[%get3A_244, %get3A_245] {strides = array<i32>} : memref<8x1024xf32, #tpu.memory_space<vmem>>, vector<1x16xf32>,
        %get3A_247 = vector.shape_cast %get3A_246 : vector<1x16xf32> to vector<16xf32>
        %mul3A_248 = arith.constant 4 : i32
        %mul3A_249 = arith.muli %scan3A_165, %mul3A_248 : i32
        %add3A_250 = arith.constant 2 : i32
        %add3A_251 = arith.addi %mul3A_249, %add3A_250 : i32
        %mul3A_252 = arith.constant 16 : i32
        %mul3A_253 = arith.muli %add3A_251, %mul3A_252 : i32
        %get3A_254 = arith.index_cast %mul3A_253 : i32 to index
        %get3A_255 = tpu.vector_load %arg6[%get3A_254] {strides = array<i32>} : memref<1024xf32, #tpu.memory_space<vmem>>, vector<16xf32>,
        %get3A_256 = vector.shape_cast %get3A_255 : vector<16xf32> to vector<16xf32>
        %bitcast_convert_type3A_257 = tpu.bitcast %get3A_247 : vector<16xf32> -> vector<16xi32>
        %add3A_258 = arith.constant 32767 : i32
        %add3A_259 = vector.broadcast %add3A_258 : i32 to vector<16xi32>
        %add3A_260 = arith.addi %bitcast_convert_type3A_257, %add3A_259 : vector<16xi32>
        %shift_right_arithmetic3A_261 = arith.constant 16 : i32
        %shift_right_arithmetic3A_262 = vector.broadcast %shift_right_arithmetic3A_261 : i32 to vector<16xi32>
        %shift_right_arithmetic3A_263 = arith.shrsi %bitcast_convert_type3A_257, %shift_right_arithmetic3A_262 : vector<16xi32>
        %and3A_264 = arith.constant 1 : i32
        %and3A_265 = vector.broadcast %and3A_264 : i32 to vector<16xi32>
        %and3A_266 = arith.andi %shift_right_arithmetic3A_263, %and3A_265 : vector<16xi32>
        %add3A_267 = arith.addi %add3A_260, %and3A_266 : vector<16xi32>
        %and3A_268 = arith.constant -65536 : i32
        %and3A_269 = vector.broadcast %and3A_268 : i32 to vector<16xi32>
        %and3A_270 = arith.andi %add3A_267, %and3A_269 : vector<16xi32>
        %bitcast_convert_type3A_271 = tpu.bitcast %and3A_270 : vector<16xi32> -> vector<16xf32>
        %mul3A_272 = arith.mulf %bitcast_convert_type3A_271, %get3A_256 : vector<16xf32>
        %add3A_273 = arith.addf %add3A_236, %mul3A_272 : vector<16xf32>
        %mul3A_274 = arith.constant 4 : i32
        %mul3A_275 = arith.muli %scan3A_165, %mul3A_274 : i32
        %add3A_276 = arith.constant 3 : i32
        %add3A_277 = arith.addi %mul3A_275, %add3A_276 : i32
        %mul3A_278 = arith.constant 16 : i32
        %mul3A_279 = arith.muli %add3A_277, %mul3A_278 : i32
        %get3A_280 = arith.constant 3 : i32
        %get3A_281 = arith.index_cast %get3A_280 : i32 to index
        %get3A_282 = arith.index_cast %mul3A_279 : i32 to index
        %get3A_283 = tpu.vector_load %arg5[%get3A_281, %get3A_282] {strides = array<i32>} : memref<8x1024xf32, #tpu.memory_space<vmem>>, vector<1x16xf32>,
        %get3A_284 = vector.shape_cast %get3A_283 : vector<1x16xf32> to vector<16xf32>
        %mul3A_285 = arith.constant 4 : i32
        %mul3A_286 = arith.muli %scan3A_165, %mul3A_285 : i32
        %add3A_287 = arith.constant 3 : i32
        %add3A_288 = arith.addi %mul3A_286, %add3A_287 : i32
        %mul3A_289 = arith.constant 16 : i32
        %mul3A_290 = arith.muli %add3A_288, %mul3A_289 : i32
        %get3A_291 = arith.index_cast %mul3A_290 : i32 to index
        %get3A_292 = tpu.vector_load %arg6[%get3A_291] {strides = array<i32>} : memref<1024xf32, #tpu.memory_space<vmem>>, vector<16xf32>,
        %get3A_293 = vector.shape_cast %get3A_292 : vector<16xf32> to vector<16xf32>
        %bitcast_convert_type3A_294 = tpu.bitcast %get3A_284 : vector<16xf32> -> vector<16xi32>
        %add3A_295 = arith.constant 32767 : i32
        %add3A_296 = vector.broadcast %add3A_295 : i32 to vector<16xi32>
        %add3A_297 = arith.addi %bitcast_convert_type3A_294, %add3A_296 : vector<16xi32>
        %shift_right_arithmetic3A_298 = arith.constant 16 : i32
        %shift_right_arithmetic3A_299 = vector.broadcast %shift_right_arithmetic3A_298 : i32 to vector<16xi32>
        %shift_right_arithmetic3A_300 = arith.shrsi %bitcast_convert_type3A_294, %shift_right_arithmetic3A_299 : vector<16xi32>
        %and3A_301 = arith.constant 1 : i32
        %and3A_302 = vector.broadcast %and3A_301 : i32 to vector<16xi32>
        %and3A_303 = arith.andi %shift_right_arithmetic3A_300, %and3A_302 : vector<16xi32>
        %add3A_304 = arith.addi %add3A_297, %and3A_303 : vector<16xi32>
        %and3A_305 = arith.constant -65536 : i32
        %and3A_306 = vector.broadcast %and3A_305 : i32 to vector<16xi32>
        %and3A_307 = arith.andi %add3A_304, %and3A_306 : vector<16xi32>
        %bitcast_convert_type3A_308 = tpu.bitcast %and3A_307 : vector<16xi32> -> vector<16xf32>
        %mul3A_309 = arith.mulf %bitcast_convert_type3A_308, %get3A_293 : vector<16xf32>
        %add3A_310 = arith.addf %add3A_273, %mul3A_309 : vector<16xf32>
        scf.yield %add3A_310 : vector<16xf32>
      }
      %scan3A_81 = arith.constant 16 : i32
      %mul3A_82 = arith.constant 8 : i32
      %mul3A_83 = arith.muli %scan3A_13, %mul3A_82 : i32
      %add3A_84 = arith.constant 3 : i32
      %add3A_85 = arith.addi %mul3A_83, %add3A_84 : i32
      %mul3A_86 = arith.constant 16 : i32
      %mul3A_87 = arith.muli %add3A_85, %mul3A_86 : i32
      %swap3A_88 = arith.index_cast %mul3A_87 : i32 to index
      %swap3A_89 = tpu.vector_load %arg7[%swap3A_88] {strides = array<i32>} : memref<1024xf32, #tpu.memory_space<vmem>>, vector<16xf32>,
      %swap3A_90 = vector.shape_cast %swap3A_89 : vector<16xf32> to vector<16xf32>
      %swap3A_91 = vector.shape_cast %scan3A_80 : vector<16xf32> to vector<16xf32>
      tpu.vector_store %arg7[%swap3A_88], %swap3A_91 {strides = array<i32>} : memref<1024xf32, #tpu.memory_space<vmem>>, vector<16xf32>,
      %broadcast_in_dim3A_92 = arith.constant 0.000000e+00 : f32
      %broadcast_in_dim3A_93 = vector.broadcast %broadcast_in_dim3A_92 : f32 to vector<16xf32>
      %scan3A_94 = arith.constant 0 : i32
      %scan3A_95 = arith.constant 16 : i32
      %scan3A_96 = arith.addi %scan3A_94, %scan3A_95 : i32
      %scan3A_97 = arith.constant 1 : i32
      %scan3A_98 = scf.for %scan3A_165 = %scan3A_94 to %scan3A_96 step %scan3A_97 iter_args(%scan3A_166 = %broadcast_in_dim3A_93) -> (vector<16xf32>)  : i32 {
        %mul3A_167 = arith.constant 4 : i32
        %mul3A_168 = arith.muli %scan3A_165, %mul3A_167 : i32
        %add3A_169 = arith.constant 0 : i32
        %add3A_170 = arith.addi %mul3A_168, %add3A_169 : i32
        %mul3A_171 = arith.constant 16 : i32
        %mul3A_172 = arith.muli %add3A_170, %mul3A_171 : i32
        %get3A = arith.constant 4 : i32
        %get3A_173 = arith.index_cast %get3A : i32 to index
        %get3A_174 = arith.index_cast %mul3A_172 : i32 to index
        %get3A_175 = tpu.vector_load %arg5[%get3A_173, %get3A_174] {strides = array<i32>} : memref<8x1024xf32, #tpu.memory_space<vmem>>, vector<1x16xf32>,
        %get3A_176 = vector.shape_cast %get3A_175 : vector<1x16xf32> to vector<16xf32>
        %mul3A_177 = arith.constant 4 : i32
        %mul3A_178 = arith.muli %scan3A_165, %mul3A_177 : i32
        %add3A_179 = arith.constant 0 : i32
        %add3A_180 = arith.addi %mul3A_178, %add3A_179 : i32
        %mul3A_181 = arith.constant 16 : i32
        %mul3A_182 = arith.muli %add3A_180, %mul3A_181 : i32
        %get3A_183 = arith.index_cast %mul3A_182 : i32 to index
        %get3A_184 = tpu.vector_load %arg6[%get3A_183] {strides = array<i32>} : memref<1024xf32, #tpu.memory_space<vmem>>, vector<16xf32>,
        %get3A_185 = vector.shape_cast %get3A_184 : vector<16xf32> to vector<16xf32>
        %bitcast_convert_type3A = tpu.bitcast %get3A_176 : vector<16xf32> -> vector<16xi32>
        %add3A_186 = arith.constant 32767 : i32
        %add3A_187 = vector.broadcast %add3A_186 : i32 to vector<16xi32>
        %add3A_188 = arith.addi %bitcast_convert_type3A, %add3A_187 : vector<16xi32>
        %shift_right_arithmetic3A = arith.constant 16 : i32
        %shift_right_arithmetic3A_189 = vector.broadcast %shift_right_arithmetic3A : i32 to vector<16xi32>
        %shift_right_arithmetic3A_190 = arith.shrsi %bitcast_convert_type3A, %shift_right_arithmetic3A_189 : vector<16xi32>
        %and3A = arith.constant 1 : i32
        %and3A_191 = vector.broadcast %and3A : i32 to vector<16xi32>
        %and3A_192 = arith.andi %shift_right_arithmetic3A_190, %and3A_191 : vector<16xi32>
        %add3A_193 = arith.addi %add3A_188, %and3A_192 : vector<16xi32>
        %and3A_194 = arith.constant -65536 : i32
        %and3A_195 = vector.broadcast %and3A_194 : i32 to vector<16xi32>
        %and3A_196 = arith.andi %add3A_193, %and3A_195 : vector<16xi32>
        %bitcast_convert_type3A_197 = tpu.bitcast %and3A_196 : vector<16xi32> -> vector<16xf32>
        %mul3A_198 = arith.mulf %bitcast_convert_type3A_197, %get3A_185 : vector<16xf32>
        %add3A_199 = arith.addf %scan3A_166, %mul3A_198 : vector<16xf32>
        %mul3A_200 = arith.constant 4 : i32
        %mul3A_201 = arith.muli %scan3A_165, %mul3A_200 : i32
        %add3A_202 = arith.constant 1 : i32
        %add3A_203 = arith.addi %mul3A_201, %add3A_202 : i32
        %mul3A_204 = arith.constant 16 : i32
        %mul3A_205 = arith.muli %add3A_203, %mul3A_204 : i32
        %get3A_206 = arith.constant 4 : i32
        %get3A_207 = arith.index_cast %get3A_206 : i32 to index
        %get3A_208 = arith.index_cast %mul3A_205 : i32 to index
        %get3A_209 = tpu.vector_load %arg5[%get3A_207, %get3A_208] {strides = array<i32>} : memref<8x1024xf32, #tpu.memory_space<vmem>>, vector<1x16xf32>,
        %get3A_210 = vector.shape_cast %get3A_209 : vector<1x16xf32> to vector<16xf32>
        %mul3A_211 = arith.constant 4 : i32
        %mul3A_212 = arith.muli %scan3A_165, %mul3A_211 : i32
        %add3A_213 = arith.constant 1 : i32
        %add3A_214 = arith.addi %mul3A_212, %add3A_213 : i32
        %mul3A_215 = arith.constant 16 : i32
        %mul3A_216 = arith.muli %add3A_214, %mul3A_215 : i32
        %get3A_217 = arith.index_cast %mul3A_216 : i32 to index
        %get3A_218 = tpu.vector_load %arg6[%get3A_217] {strides = array<i32>} : memref<1024xf32, #tpu.memory_space<vmem>>, vector<16xf32>,
        %get3A_219 = vector.shape_cast %get3A_218 : vector<16xf32> to vector<16xf32>
        %bitcast_convert_type3A_220 = tpu.bitcast %get3A_210 : vector<16xf32> -> vector<16xi32>
        %add3A_221 = arith.constant 32767 : i32
        %add3A_222 = vector.broadcast %add3A_221 : i32 to vector<16xi32>
        %add3A_223 = arith.addi %bitcast_convert_type3A_220, %add3A_222 : vector<16xi32>
        %shift_right_arithmetic3A_224 = arith.constant 16 : i32
        %shift_right_arithmetic3A_225 = vector.broadcast %shift_right_arithmetic3A_224 : i32 to vector<16xi32>
        %shift_right_arithmetic3A_226 = arith.shrsi %bitcast_convert_type3A_220, %shift_right_arithmetic3A_225 : vector<16xi32>
        %and3A_227 = arith.constant 1 : i32
        %and3A_228 = vector.broadcast %and3A_227 : i32 to vector<16xi32>
        %and3A_229 = arith.andi %shift_right_arithmetic3A_226, %and3A_228 : vector<16xi32>
        %add3A_230 = arith.addi %add3A_223, %and3A_229 : vector<16xi32>
        %and3A_231 = arith.constant -65536 : i32
        %and3A_232 = vector.broadcast %and3A_231 : i32 to vector<16xi32>
        %and3A_233 = arith.andi %add3A_230, %and3A_232 : vector<16xi32>
        %bitcast_convert_type3A_234 = tpu.bitcast %and3A_233 : vector<16xi32> -> vector<16xf32>
        %mul3A_235 = arith.mulf %bitcast_convert_type3A_234, %get3A_219 : vector<16xf32>
        %add3A_236 = arith.addf %add3A_199, %mul3A_235 : vector<16xf32>
        %mul3A_237 = arith.constant 4 : i32
        %mul3A_238 = arith.muli %scan3A_165, %mul3A_237 : i32
        %add3A_239 = arith.constant 2 : i32
        %add3A_240 = arith.addi %mul3A_238, %add3A_239 : i32
        %mul3A_241 = arith.constant 16 : i32
        %mul3A_242 = arith.muli %add3A_240, %mul3A_241 : i32
        %get3A_243 = arith.constant 4 : i32
        %get3A_244 = arith.index_cast %get3A_243 : i32 to index
        %get3A_245 = arith.index_cast %mul3A_242 : i32 to index
        %get3A_246 = tpu.vector_load %arg5[%get3A_244, %get3A_245] {strides = array<i32>} : memref<8x1024xf32, #tpu.memory_space<vmem>>, vector<1x16xf32>,
        %get3A_247 = vector.shape_cast %get3A_246 : vector<1x16xf32> to vector<16xf32>
        %mul3A_248 = arith.constant 4 : i32
        %mul3A_249 = arith.muli %scan3A_165, %mul3A_248 : i32
        %add3A_250 = arith.constant 2 : i32
        %add3A_251 = arith.addi %mul3A_249, %add3A_250 : i32
        %mul3A_252 = arith.constant 16 : i32
        %mul3A_253 = arith.muli %add3A_251, %mul3A_252 : i32
        %get3A_254 = arith.index_cast %mul3A_253 : i32 to index
        %get3A_255 = tpu.vector_load %arg6[%get3A_254] {strides = array<i32>} : memref<1024xf32, #tpu.memory_space<vmem>>, vector<16xf32>,
        %get3A_256 = vector.shape_cast %get3A_255 : vector<16xf32> to vector<16xf32>
        %bitcast_convert_type3A_257 = tpu.bitcast %get3A_247 : vector<16xf32> -> vector<16xi32>
        %add3A_258 = arith.constant 32767 : i32
        %add3A_259 = vector.broadcast %add3A_258 : i32 to vector<16xi32>
        %add3A_260 = arith.addi %bitcast_convert_type3A_257, %add3A_259 : vector<16xi32>
        %shift_right_arithmetic3A_261 = arith.constant 16 : i32
        %shift_right_arithmetic3A_262 = vector.broadcast %shift_right_arithmetic3A_261 : i32 to vector<16xi32>
        %shift_right_arithmetic3A_263 = arith.shrsi %bitcast_convert_type3A_257, %shift_right_arithmetic3A_262 : vector<16xi32>
        %and3A_264 = arith.constant 1 : i32
        %and3A_265 = vector.broadcast %and3A_264 : i32 to vector<16xi32>
        %and3A_266 = arith.andi %shift_right_arithmetic3A_263, %and3A_265 : vector<16xi32>
        %add3A_267 = arith.addi %add3A_260, %and3A_266 : vector<16xi32>
        %and3A_268 = arith.constant -65536 : i32
        %and3A_269 = vector.broadcast %and3A_268 : i32 to vector<16xi32>
        %and3A_270 = arith.andi %add3A_267, %and3A_269 : vector<16xi32>
        %bitcast_convert_type3A_271 = tpu.bitcast %and3A_270 : vector<16xi32> -> vector<16xf32>
        %mul3A_272 = arith.mulf %bitcast_convert_type3A_271, %get3A_256 : vector<16xf32>
        %add3A_273 = arith.addf %add3A_236, %mul3A_272 : vector<16xf32>
        %mul3A_274 = arith.constant 4 : i32
        %mul3A_275 = arith.muli %scan3A_165, %mul3A_274 : i32
        %add3A_276 = arith.constant 3 : i32
        %add3A_277 = arith.addi %mul3A_275, %add3A_276 : i32
        %mul3A_278 = arith.constant 16 : i32
        %mul3A_279 = arith.muli %add3A_277, %mul3A_278 : i32
        %get3A_280 = arith.constant 4 : i32
        %get3A_281 = arith.index_cast %get3A_280 : i32 to index
        %get3A_282 = arith.index_cast %mul3A_279 : i32 to index
        %get3A_283 = tpu.vector_load %arg5[%get3A_281, %get3A_282] {strides = array<i32>} : memref<8x1024xf32, #tpu.memory_space<vmem>>, vector<1x16xf32>,
        %get3A_284 = vector.shape_cast %get3A_283 : vector<1x16xf32> to vector<16xf32>
        %mul3A_285 = arith.constant 4 : i32
        %mul3A_286 = arith.muli %scan3A_165, %mul3A_285 : i32
        %add3A_287 = arith.constant 3 : i32
        %add3A_288 = arith.addi %mul3A_286, %add3A_287 : i32
        %mul3A_289 = arith.constant 16 : i32
        %mul3A_290 = arith.muli %add3A_288, %mul3A_289 : i32
        %get3A_291 = arith.index_cast %mul3A_290 : i32 to index
        %get3A_292 = tpu.vector_load %arg6[%get3A_291] {strides = array<i32>} : memref<1024xf32, #tpu.memory_space<vmem>>, vector<16xf32>,
        %get3A_293 = vector.shape_cast %get3A_292 : vector<16xf32> to vector<16xf32>
        %bitcast_convert_type3A_294 = tpu.bitcast %get3A_284 : vector<16xf32> -> vector<16xi32>
        %add3A_295 = arith.constant 32767 : i32
        %add3A_296 = vector.broadcast %add3A_295 : i32 to vector<16xi32>
        %add3A_297 = arith.addi %bitcast_convert_type3A_294, %add3A_296 : vector<16xi32>
        %shift_right_arithmetic3A_298 = arith.constant 16 : i32
        %shift_right_arithmetic3A_299 = vector.broadcast %shift_right_arithmetic3A_298 : i32 to vector<16xi32>
        %shift_right_arithmetic3A_300 = arith.shrsi %bitcast_convert_type3A_294, %shift_right_arithmetic3A_299 : vector<16xi32>
        %and3A_301 = arith.constant 1 : i32
        %and3A_302 = vector.broadcast %and3A_301 : i32 to vector<16xi32>
        %and3A_303 = arith.andi %shift_right_arithmetic3A_300, %and3A_302 : vector<16xi32>
        %add3A_304 = arith.addi %add3A_297, %and3A_303 : vector<16xi32>
        %and3A_305 = arith.constant -65536 : i32
        %and3A_306 = vector.broadcast %and3A_305 : i32 to vector<16xi32>
        %and3A_307 = arith.andi %add3A_304, %and3A_306 : vector<16xi32>
        %bitcast_convert_type3A_308 = tpu.bitcast %and3A_307 : vector<16xi32> -> vector<16xf32>
        %mul3A_309 = arith.mulf %bitcast_convert_type3A_308, %get3A_293 : vector<16xf32>
        %add3A_310 = arith.addf %add3A_273, %mul3A_309 : vector<16xf32>
        scf.yield %add3A_310 : vector<16xf32>
      }
      %scan3A_99 = arith.constant 16 : i32
      %mul3A_100 = arith.constant 8 : i32
      %mul3A_101 = arith.muli %scan3A_13, %mul3A_100 : i32
      %add3A_102 = arith.constant 4 : i32
      %add3A_103 = arith.addi %mul3A_101, %add3A_102 : i32
      %mul3A_104 = arith.constant 16 : i32
      %mul3A_105 = arith.muli %add3A_103, %mul3A_104 : i32
      %swap3A_106 = arith.index_cast %mul3A_105 : i32 to index
      %swap3A_107 = tpu.vector_load %arg7[%swap3A_106] {strides = array<i32>} : memref<1024xf32, #tpu.memory_space<vmem>>, vector<16xf32>,
      %swap3A_108 = vector.shape_cast %swap3A_107 : vector<16xf32> to vector<16xf32>
      %swap3A_109 = vector.shape_cast %scan3A_98 : vector<16xf32> to vector<16xf32>
      tpu.vector_store %arg7[%swap3A_106], %swap3A_109 {strides = array<i32>} : memref<1024xf32, #tpu.memory_space<vmem>>, vector<16xf32>,
      %broadcast_in_dim3A_110 = arith.constant 0.000000e+00 : f32
      %broadcast_in_dim3A_111 = vector.broadcast %broadcast_in_dim3A_110 : f32 to vector<16xf32>
      %scan3A_112 = arith.constant 0 : i32
      %scan3A_113 = arith.constant 16 : i32
      %scan3A_114 = arith.addi %scan3A_112, %scan3A_113 : i32
      %scan3A_115 = arith.constant 1 : i32
      %scan3A_116 = scf.for %scan3A_165 = %scan3A_112 to %scan3A_114 step %scan3A_115 iter_args(%scan3A_166 = %broadcast_in_dim3A_111) -> (vector<16xf32>)  : i32 {
        %mul3A_167 = arith.constant 4 : i32
        %mul3A_168 = arith.muli %scan3A_165, %mul3A_167 : i32
        %add3A_169 = arith.constant 0 : i32
        %add3A_170 = arith.addi %mul3A_168, %add3A_169 : i32
        %mul3A_171 = arith.constant 16 : i32
        %mul3A_172 = arith.muli %add3A_170, %mul3A_171 : i32
        %get3A = arith.constant 5 : i32
        %get3A_173 = arith.index_cast %get3A : i32 to index
        %get3A_174 = arith.index_cast %mul3A_172 : i32 to index
        %get3A_175 = tpu.vector_load %arg5[%get3A_173, %get3A_174] {strides = array<i32>} : memref<8x1024xf32, #tpu.memory_space<vmem>>, vector<1x16xf32>,
        %get3A_176 = vector.shape_cast %get3A_175 : vector<1x16xf32> to vector<16xf32>
        %mul3A_177 = arith.constant 4 : i32
        %mul3A_178 = arith.muli %scan3A_165, %mul3A_177 : i32
        %add3A_179 = arith.constant 0 : i32
        %add3A_180 = arith.addi %mul3A_178, %add3A_179 : i32
        %mul3A_181 = arith.constant 16 : i32
        %mul3A_182 = arith.muli %add3A_180, %mul3A_181 : i32
        %get3A_183 = arith.index_cast %mul3A_182 : i32 to index
        %get3A_184 = tpu.vector_load %arg6[%get3A_183] {strides = array<i32>} : memref<1024xf32, #tpu.memory_space<vmem>>, vector<16xf32>,
        %get3A_185 = vector.shape_cast %get3A_184 : vector<16xf32> to vector<16xf32>
        %bitcast_convert_type3A = tpu.bitcast %get3A_176 : vector<16xf32> -> vector<16xi32>
        %add3A_186 = arith.constant 32767 : i32
        %add3A_187 = vector.broadcast %add3A_186 : i32 to vector<16xi32>
        %add3A_188 = arith.addi %bitcast_convert_type3A, %add3A_187 : vector<16xi32>
        %shift_right_arithmetic3A = arith.constant 16 : i32
        %shift_right_arithmetic3A_189 = vector.broadcast %shift_right_arithmetic3A : i32 to vector<16xi32>
        %shift_right_arithmetic3A_190 = arith.shrsi %bitcast_convert_type3A, %shift_right_arithmetic3A_189 : vector<16xi32>
        %and3A = arith.constant 1 : i32
        %and3A_191 = vector.broadcast %and3A : i32 to vector<16xi32>
        %and3A_192 = arith.andi %shift_right_arithmetic3A_190, %and3A_191 : vector<16xi32>
        %add3A_193 = arith.addi %add3A_188, %and3A_192 : vector<16xi32>
        %and3A_194 = arith.constant -65536 : i32
        %and3A_195 = vector.broadcast %and3A_194 : i32 to vector<16xi32>
        %and3A_196 = arith.andi %add3A_193, %and3A_195 : vector<16xi32>
        %bitcast_convert_type3A_197 = tpu.bitcast %and3A_196 : vector<16xi32> -> vector<16xf32>
        %mul3A_198 = arith.mulf %bitcast_convert_type3A_197, %get3A_185 : vector<16xf32>
        %add3A_199 = arith.addf %scan3A_166, %mul3A_198 : vector<16xf32>
        %mul3A_200 = arith.constant 4 : i32
        %mul3A_201 = arith.muli %scan3A_165, %mul3A_200 : i32
        %add3A_202 = arith.constant 1 : i32
        %add3A_203 = arith.addi %mul3A_201, %add3A_202 : i32
        %mul3A_204 = arith.constant 16 : i32
        %mul3A_205 = arith.muli %add3A_203, %mul3A_204 : i32
        %get3A_206 = arith.constant 5 : i32
        %get3A_207 = arith.index_cast %get3A_206 : i32 to index
        %get3A_208 = arith.index_cast %mul3A_205 : i32 to index
        %get3A_209 = tpu.vector_load %arg5[%get3A_207, %get3A_208] {strides = array<i32>} : memref<8x1024xf32, #tpu.memory_space<vmem>>, vector<1x16xf32>,
        %get3A_210 = vector.shape_cast %get3A_209 : vector<1x16xf32> to vector<16xf32>
        %mul3A_211 = arith.constant 4 : i32
        %mul3A_212 = arith.muli %scan3A_165, %mul3A_211 : i32
        %add3A_213 = arith.constant 1 : i32
        %add3A_214 = arith.addi %mul3A_212, %add3A_213 : i32
        %mul3A_215 = arith.constant 16 : i32
        %mul3A_216 = arith.muli %add3A_214, %mul3A_215 : i32
        %get3A_217 = arith.index_cast %mul3A_216 : i32 to index
        %get3A_218 = tpu.vector_load %arg6[%get3A_217] {strides = array<i32>} : memref<1024xf32, #tpu.memory_space<vmem>>, vector<16xf32>,
        %get3A_219 = vector.shape_cast %get3A_218 : vector<16xf32> to vector<16xf32>
        %bitcast_convert_type3A_220 = tpu.bitcast %get3A_210 : vector<16xf32> -> vector<16xi32>
        %add3A_221 = arith.constant 32767 : i32
        %add3A_222 = vector.broadcast %add3A_221 : i32 to vector<16xi32>
        %add3A_223 = arith.addi %bitcast_convert_type3A_220, %add3A_222 : vector<16xi32>
        %shift_right_arithmetic3A_224 = arith.constant 16 : i32
        %shift_right_arithmetic3A_225 = vector.broadcast %shift_right_arithmetic3A_224 : i32 to vector<16xi32>
        %shift_right_arithmetic3A_226 = arith.shrsi %bitcast_convert_type3A_220, %shift_right_arithmetic3A_225 : vector<16xi32>
        %and3A_227 = arith.constant 1 : i32
        %and3A_228 = vector.broadcast %and3A_227 : i32 to vector<16xi32>
        %and3A_229 = arith.andi %shift_right_arithmetic3A_226, %and3A_228 : vector<16xi32>
        %add3A_230 = arith.addi %add3A_223, %and3A_229 : vector<16xi32>
        %and3A_231 = arith.constant -65536 : i32
        %and3A_232 = vector.broadcast %and3A_231 : i32 to vector<16xi32>
        %and3A_233 = arith.andi %add3A_230, %and3A_232 : vector<16xi32>
        %bitcast_convert_type3A_234 = tpu.bitcast %and3A_233 : vector<16xi32> -> vector<16xf32>
        %mul3A_235 = arith.mulf %bitcast_convert_type3A_234, %get3A_219 : vector<16xf32>
        %add3A_236 = arith.addf %add3A_199, %mul3A_235 : vector<16xf32>
        %mul3A_237 = arith.constant 4 : i32
        %mul3A_238 = arith.muli %scan3A_165, %mul3A_237 : i32
        %add3A_239 = arith.constant 2 : i32
        %add3A_240 = arith.addi %mul3A_238, %add3A_239 : i32
        %mul3A_241 = arith.constant 16 : i32
        %mul3A_242 = arith.muli %add3A_240, %mul3A_241 : i32
        %get3A_243 = arith.constant 5 : i32
        %get3A_244 = arith.index_cast %get3A_243 : i32 to index
        %get3A_245 = arith.index_cast %mul3A_242 : i32 to index
        %get3A_246 = tpu.vector_load %arg5[%get3A_244, %get3A_245] {strides = array<i32>} : memref<8x1024xf32, #tpu.memory_space<vmem>>, vector<1x16xf32>,
        %get3A_247 = vector.shape_cast %get3A_246 : vector<1x16xf32> to vector<16xf32>
        %mul3A_248 = arith.constant 4 : i32
        %mul3A_249 = arith.muli %scan3A_165, %mul3A_248 : i32
        %add3A_250 = arith.constant 2 : i32
        %add3A_251 = arith.addi %mul3A_249, %add3A_250 : i32
        %mul3A_252 = arith.constant 16 : i32
        %mul3A_253 = arith.muli %add3A_251, %mul3A_252 : i32
        %get3A_254 = arith.index_cast %mul3A_253 : i32 to index
        %get3A_255 = tpu.vector_load %arg6[%get3A_254] {strides = array<i32>} : memref<1024xf32, #tpu.memory_space<vmem>>, vector<16xf32>,
        %get3A_256 = vector.shape_cast %get3A_255 : vector<16xf32> to vector<16xf32>
        %bitcast_convert_type3A_257 = tpu.bitcast %get3A_247 : vector<16xf32> -> vector<16xi32>
        %add3A_258 = arith.constant 32767 : i32
        %add3A_259 = vector.broadcast %add3A_258 : i32 to vector<16xi32>
        %add3A_260 = arith.addi %bitcast_convert_type3A_257, %add3A_259 : vector<16xi32>
        %shift_right_arithmetic3A_261 = arith.constant 16 : i32
        %shift_right_arithmetic3A_262 = vector.broadcast %shift_right_arithmetic3A_261 : i32 to vector<16xi32>
        %shift_right_arithmetic3A_263 = arith.shrsi %bitcast_convert_type3A_257, %shift_right_arithmetic3A_262 : vector<16xi32>
        %and3A_264 = arith.constant 1 : i32
        %and3A_265 = vector.broadcast %and3A_264 : i32 to vector<16xi32>
        %and3A_266 = arith.andi %shift_right_arithmetic3A_263, %and3A_265 : vector<16xi32>
        %add3A_267 = arith.addi %add3A_260, %and3A_266 : vector<16xi32>
        %and3A_268 = arith.constant -65536 : i32
        %and3A_269 = vector.broadcast %and3A_268 : i32 to vector<16xi32>
        %and3A_270 = arith.andi %add3A_267, %and3A_269 : vector<16xi32>
        %bitcast_convert_type3A_271 = tpu.bitcast %and3A_270 : vector<16xi32> -> vector<16xf32>
        %mul3A_272 = arith.mulf %bitcast_convert_type3A_271, %get3A_256 : vector<16xf32>
        %add3A_273 = arith.addf %add3A_236, %mul3A_272 : vector<16xf32>
        %mul3A_274 = arith.constant 4 : i32
        %mul3A_275 = arith.muli %scan3A_165, %mul3A_274 : i32
        %add3A_276 = arith.constant 3 : i32
        %add3A_277 = arith.addi %mul3A_275, %add3A_276 : i32
        %mul3A_278 = arith.constant 16 : i32
        %mul3A_279 = arith.muli %add3A_277, %mul3A_278 : i32
        %get3A_280 = arith.constant 5 : i32
        %get3A_281 = arith.index_cast %get3A_280 : i32 to index
        %get3A_282 = arith.index_cast %mul3A_279 : i32 to index
        %get3A_283 = tpu.vector_load %arg5[%get3A_281, %get3A_282] {strides = array<i32>} : memref<8x1024xf32, #tpu.memory_space<vmem>>, vector<1x16xf32>,
        %get3A_284 = vector.shape_cast %get3A_283 : vector<1x16xf32> to vector<16xf32>
        %mul3A_285 = arith.constant 4 : i32
        %mul3A_286 = arith.muli %scan3A_165, %mul3A_285 : i32
        %add3A_287 = arith.constant 3 : i32
        %add3A_288 = arith.addi %mul3A_286, %add3A_287 : i32
        %mul3A_289 = arith.constant 16 : i32
        %mul3A_290 = arith.muli %add3A_288, %mul3A_289 : i32
        %get3A_291 = arith.index_cast %mul3A_290 : i32 to index
        %get3A_292 = tpu.vector_load %arg6[%get3A_291] {strides = array<i32>} : memref<1024xf32, #tpu.memory_space<vmem>>, vector<16xf32>,
        %get3A_293 = vector.shape_cast %get3A_292 : vector<16xf32> to vector<16xf32>
        %bitcast_convert_type3A_294 = tpu.bitcast %get3A_284 : vector<16xf32> -> vector<16xi32>
        %add3A_295 = arith.constant 32767 : i32
        %add3A_296 = vector.broadcast %add3A_295 : i32 to vector<16xi32>
        %add3A_297 = arith.addi %bitcast_convert_type3A_294, %add3A_296 : vector<16xi32>
        %shift_right_arithmetic3A_298 = arith.constant 16 : i32
        %shift_right_arithmetic3A_299 = vector.broadcast %shift_right_arithmetic3A_298 : i32 to vector<16xi32>
        %shift_right_arithmetic3A_300 = arith.shrsi %bitcast_convert_type3A_294, %shift_right_arithmetic3A_299 : vector<16xi32>
        %and3A_301 = arith.constant 1 : i32
        %and3A_302 = vector.broadcast %and3A_301 : i32 to vector<16xi32>
        %and3A_303 = arith.andi %shift_right_arithmetic3A_300, %and3A_302 : vector<16xi32>
        %add3A_304 = arith.addi %add3A_297, %and3A_303 : vector<16xi32>
        %and3A_305 = arith.constant -65536 : i32
        %and3A_306 = vector.broadcast %and3A_305 : i32 to vector<16xi32>
        %and3A_307 = arith.andi %add3A_304, %and3A_306 : vector<16xi32>
        %bitcast_convert_type3A_308 = tpu.bitcast %and3A_307 : vector<16xi32> -> vector<16xf32>
        %mul3A_309 = arith.mulf %bitcast_convert_type3A_308, %get3A_293 : vector<16xf32>
        %add3A_310 = arith.addf %add3A_273, %mul3A_309 : vector<16xf32>
        scf.yield %add3A_310 : vector<16xf32>
      }
      %scan3A_117 = arith.constant 16 : i32
      %mul3A_118 = arith.constant 8 : i32
      %mul3A_119 = arith.muli %scan3A_13, %mul3A_118 : i32
      %add3A_120 = arith.constant 5 : i32
      %add3A_121 = arith.addi %mul3A_119, %add3A_120 : i32
      %mul3A_122 = arith.constant 16 : i32
      %mul3A_123 = arith.muli %add3A_121, %mul3A_122 : i32
      %swap3A_124 = arith.index_cast %mul3A_123 : i32 to index
      %swap3A_125 = tpu.vector_load %arg7[%swap3A_124] {strides = array<i32>} : memref<1024xf32, #tpu.memory_space<vmem>>, vector<16xf32>,
      %swap3A_126 = vector.shape_cast %swap3A_125 : vector<16xf32> to vector<16xf32>
      %swap3A_127 = vector.shape_cast %scan3A_116 : vector<16xf32> to vector<16xf32>
      tpu.vector_store %arg7[%swap3A_124], %swap3A_127 {strides = array<i32>} : memref<1024xf32, #tpu.memory_space<vmem>>, vector<16xf32>,
      %broadcast_in_dim3A_128 = arith.constant 0.000000e+00 : f32
      %broadcast_in_dim3A_129 = vector.broadcast %broadcast_in_dim3A_128 : f32 to vector<16xf32>
      %scan3A_130 = arith.constant 0 : i32
      %scan3A_131 = arith.constant 16 : i32
      %scan3A_132 = arith.addi %scan3A_130, %scan3A_131 : i32
      %scan3A_133 = arith.constant 1 : i32
      %scan3A_134 = scf.for %scan3A_165 = %scan3A_130 to %scan3A_132 step %scan3A_133 iter_args(%scan3A_166 = %broadcast_in_dim3A_129) -> (vector<16xf32>)  : i32 {
        %mul3A_167 = arith.constant 4 : i32
        %mul3A_168 = arith.muli %scan3A_165, %mul3A_167 : i32
        %add3A_169 = arith.constant 0 : i32
        %add3A_170 = arith.addi %mul3A_168, %add3A_169 : i32
        %mul3A_171 = arith.constant 16 : i32
        %mul3A_172 = arith.muli %add3A_170, %mul3A_171 : i32
        %get3A = arith.constant 6 : i32
        %get3A_173 = arith.index_cast %get3A : i32 to index
        %get3A_174 = arith.index_cast %mul3A_172 : i32 to index
        %get3A_175 = tpu.vector_load %arg5[%get3A_173, %get3A_174] {strides = array<i32>} : memref<8x1024xf32, #tpu.memory_space<vmem>>, vector<1x16xf32>,
        %get3A_176 = vector.shape_cast %get3A_175 : vector<1x16xf32> to vector<16xf32>
        %mul3A_177 = arith.constant 4 : i32
        %mul3A_178 = arith.muli %scan3A_165, %mul3A_177 : i32
        %add3A_179 = arith.constant 0 : i32
        %add3A_180 = arith.addi %mul3A_178, %add3A_179 : i32
        %mul3A_181 = arith.constant 16 : i32
        %mul3A_182 = arith.muli %add3A_180, %mul3A_181 : i32
        %get3A_183 = arith.index_cast %mul3A_182 : i32 to index
        %get3A_184 = tpu.vector_load %arg6[%get3A_183] {strides = array<i32>} : memref<1024xf32, #tpu.memory_space<vmem>>, vector<16xf32>,
        %get3A_185 = vector.shape_cast %get3A_184 : vector<16xf32> to vector<16xf32>
        %bitcast_convert_type3A = tpu.bitcast %get3A_176 : vector<16xf32> -> vector<16xi32>
        %add3A_186 = arith.constant 32767 : i32
        %add3A_187 = vector.broadcast %add3A_186 : i32 to vector<16xi32>
        %add3A_188 = arith.addi %bitcast_convert_type3A, %add3A_187 : vector<16xi32>
        %shift_right_arithmetic3A = arith.constant 16 : i32
        %shift_right_arithmetic3A_189 = vector.broadcast %shift_right_arithmetic3A : i32 to vector<16xi32>
        %shift_right_arithmetic3A_190 = arith.shrsi %bitcast_convert_type3A, %shift_right_arithmetic3A_189 : vector<16xi32>
        %and3A = arith.constant 1 : i32
        %and3A_191 = vector.broadcast %and3A : i32 to vector<16xi32>
        %and3A_192 = arith.andi %shift_right_arithmetic3A_190, %and3A_191 : vector<16xi32>
        %add3A_193 = arith.addi %add3A_188, %and3A_192 : vector<16xi32>
        %and3A_194 = arith.constant -65536 : i32
        %and3A_195 = vector.broadcast %and3A_194 : i32 to vector<16xi32>
        %and3A_196 = arith.andi %add3A_193, %and3A_195 : vector<16xi32>
        %bitcast_convert_type3A_197 = tpu.bitcast %and3A_196 : vector<16xi32> -> vector<16xf32>
        %mul3A_198 = arith.mulf %bitcast_convert_type3A_197, %get3A_185 : vector<16xf32>
        %add3A_199 = arith.addf %scan3A_166, %mul3A_198 : vector<16xf32>
        %mul3A_200 = arith.constant 4 : i32
        %mul3A_201 = arith.muli %scan3A_165, %mul3A_200 : i32
        %add3A_202 = arith.constant 1 : i32
        %add3A_203 = arith.addi %mul3A_201, %add3A_202 : i32
        %mul3A_204 = arith.constant 16 : i32
        %mul3A_205 = arith.muli %add3A_203, %mul3A_204 : i32
        %get3A_206 = arith.constant 6 : i32
        %get3A_207 = arith.index_cast %get3A_206 : i32 to index
        %get3A_208 = arith.index_cast %mul3A_205 : i32 to index
        %get3A_209 = tpu.vector_load %arg5[%get3A_207, %get3A_208] {strides = array<i32>} : memref<8x1024xf32, #tpu.memory_space<vmem>>, vector<1x16xf32>,
        %get3A_210 = vector.shape_cast %get3A_209 : vector<1x16xf32> to vector<16xf32>
        %mul3A_211 = arith.constant 4 : i32
        %mul3A_212 = arith.muli %scan3A_165, %mul3A_211 : i32
        %add3A_213 = arith.constant 1 : i32
        %add3A_214 = arith.addi %mul3A_212, %add3A_213 : i32
        %mul3A_215 = arith.constant 16 : i32
        %mul3A_216 = arith.muli %add3A_214, %mul3A_215 : i32
        %get3A_217 = arith.index_cast %mul3A_216 : i32 to index
        %get3A_218 = tpu.vector_load %arg6[%get3A_217] {strides = array<i32>} : memref<1024xf32, #tpu.memory_space<vmem>>, vector<16xf32>,
        %get3A_219 = vector.shape_cast %get3A_218 : vector<16xf32> to vector<16xf32>
        %bitcast_convert_type3A_220 = tpu.bitcast %get3A_210 : vector<16xf32> -> vector<16xi32>
        %add3A_221 = arith.constant 32767 : i32
        %add3A_222 = vector.broadcast %add3A_221 : i32 to vector<16xi32>
        %add3A_223 = arith.addi %bitcast_convert_type3A_220, %add3A_222 : vector<16xi32>
        %shift_right_arithmetic3A_224 = arith.constant 16 : i32
        %shift_right_arithmetic3A_225 = vector.broadcast %shift_right_arithmetic3A_224 : i32 to vector<16xi32>
        %shift_right_arithmetic3A_226 = arith.shrsi %bitcast_convert_type3A_220, %shift_right_arithmetic3A_225 : vector<16xi32>
        %and3A_227 = arith.constant 1 : i32
        %and3A_228 = vector.broadcast %and3A_227 : i32 to vector<16xi32>
        %and3A_229 = arith.andi %shift_right_arithmetic3A_226, %and3A_228 : vector<16xi32>
        %add3A_230 = arith.addi %add3A_223, %and3A_229 : vector<16xi32>
        %and3A_231 = arith.constant -65536 : i32
        %and3A_232 = vector.broadcast %and3A_231 : i32 to vector<16xi32>
        %and3A_233 = arith.andi %add3A_230, %and3A_232 : vector<16xi32>
        %bitcast_convert_type3A_234 = tpu.bitcast %and3A_233 : vector<16xi32> -> vector<16xf32>
        %mul3A_235 = arith.mulf %bitcast_convert_type3A_234, %get3A_219 : vector<16xf32>
        %add3A_236 = arith.addf %add3A_199, %mul3A_235 : vector<16xf32>
        %mul3A_237 = arith.constant 4 : i32
        %mul3A_238 = arith.muli %scan3A_165, %mul3A_237 : i32
        %add3A_239 = arith.constant 2 : i32
        %add3A_240 = arith.addi %mul3A_238, %add3A_239 : i32
        %mul3A_241 = arith.constant 16 : i32
        %mul3A_242 = arith.muli %add3A_240, %mul3A_241 : i32
        %get3A_243 = arith.constant 6 : i32
        %get3A_244 = arith.index_cast %get3A_243 : i32 to index
        %get3A_245 = arith.index_cast %mul3A_242 : i32 to index
        %get3A_246 = tpu.vector_load %arg5[%get3A_244, %get3A_245] {strides = array<i32>} : memref<8x1024xf32, #tpu.memory_space<vmem>>, vector<1x16xf32>,
        %get3A_247 = vector.shape_cast %get3A_246 : vector<1x16xf32> to vector<16xf32>
        %mul3A_248 = arith.constant 4 : i32
        %mul3A_249 = arith.muli %scan3A_165, %mul3A_248 : i32
        %add3A_250 = arith.constant 2 : i32
        %add3A_251 = arith.addi %mul3A_249, %add3A_250 : i32
        %mul3A_252 = arith.constant 16 : i32
        %mul3A_253 = arith.muli %add3A_251, %mul3A_252 : i32
        %get3A_254 = arith.index_cast %mul3A_253 : i32 to index
        %get3A_255 = tpu.vector_load %arg6[%get3A_254] {strides = array<i32>} : memref<1024xf32, #tpu.memory_space<vmem>>, vector<16xf32>,
        %get3A_256 = vector.shape_cast %get3A_255 : vector<16xf32> to vector<16xf32>
        %bitcast_convert_type3A_257 = tpu.bitcast %get3A_247 : vector<16xf32> -> vector<16xi32>
        %add3A_258 = arith.constant 32767 : i32
        %add3A_259 = vector.broadcast %add3A_258 : i32 to vector<16xi32>
        %add3A_260 = arith.addi %bitcast_convert_type3A_257, %add3A_259 : vector<16xi32>
        %shift_right_arithmetic3A_261 = arith.constant 16 : i32
        %shift_right_arithmetic3A_262 = vector.broadcast %shift_right_arithmetic3A_261 : i32 to vector<16xi32>
        %shift_right_arithmetic3A_263 = arith.shrsi %bitcast_convert_type3A_257, %shift_right_arithmetic3A_262 : vector<16xi32>
        %and3A_264 = arith.constant 1 : i32
        %and3A_265 = vector.broadcast %and3A_264 : i32 to vector<16xi32>
        %and3A_266 = arith.andi %shift_right_arithmetic3A_263, %and3A_265 : vector<16xi32>
        %add3A_267 = arith.addi %add3A_260, %and3A_266 : vector<16xi32>
        %and3A_268 = arith.constant -65536 : i32
        %and3A_269 = vector.broadcast %and3A_268 : i32 to vector<16xi32>
        %and3A_270 = arith.andi %add3A_267, %and3A_269 : vector<16xi32>
        %bitcast_convert_type3A_271 = tpu.bitcast %and3A_270 : vector<16xi32> -> vector<16xf32>
        %mul3A_272 = arith.mulf %bitcast_convert_type3A_271, %get3A_256 : vector<16xf32>
        %add3A_273 = arith.addf %add3A_236, %mul3A_272 : vector<16xf32>
        %mul3A_274 = arith.constant 4 : i32
        %mul3A_275 = arith.muli %scan3A_165, %mul3A_274 : i32
        %add3A_276 = arith.constant 3 : i32
        %add3A_277 = arith.addi %mul3A_275, %add3A_276 : i32
        %mul3A_278 = arith.constant 16 : i32
        %mul3A_279 = arith.muli %add3A_277, %mul3A_278 : i32
        %get3A_280 = arith.constant 6 : i32
        %get3A_281 = arith.index_cast %get3A_280 : i32 to index
        %get3A_282 = arith.index_cast %mul3A_279 : i32 to index
        %get3A_283 = tpu.vector_load %arg5[%get3A_281, %get3A_282] {strides = array<i32>} : memref<8x1024xf32, #tpu.memory_space<vmem>>, vector<1x16xf32>,
        %get3A_284 = vector.shape_cast %get3A_283 : vector<1x16xf32> to vector<16xf32>
        %mul3A_285 = arith.constant 4 : i32
        %mul3A_286 = arith.muli %scan3A_165, %mul3A_285 : i32
        %add3A_287 = arith.constant 3 : i32
        %add3A_288 = arith.addi %mul3A_286, %add3A_287 : i32
        %mul3A_289 = arith.constant 16 : i32
        %mul3A_290 = arith.muli %add3A_288, %mul3A_289 : i32
        %get3A_291 = arith.index_cast %mul3A_290 : i32 to index
        %get3A_292 = tpu.vector_load %arg6[%get3A_291] {strides = array<i32>} : memref<1024xf32, #tpu.memory_space<vmem>>, vector<16xf32>,
        %get3A_293 = vector.shape_cast %get3A_292 : vector<16xf32> to vector<16xf32>
        %bitcast_convert_type3A_294 = tpu.bitcast %get3A_284 : vector<16xf32> -> vector<16xi32>
        %add3A_295 = arith.constant 32767 : i32
        %add3A_296 = vector.broadcast %add3A_295 : i32 to vector<16xi32>
        %add3A_297 = arith.addi %bitcast_convert_type3A_294, %add3A_296 : vector<16xi32>
        %shift_right_arithmetic3A_298 = arith.constant 16 : i32
        %shift_right_arithmetic3A_299 = vector.broadcast %shift_right_arithmetic3A_298 : i32 to vector<16xi32>
        %shift_right_arithmetic3A_300 = arith.shrsi %bitcast_convert_type3A_294, %shift_right_arithmetic3A_299 : vector<16xi32>
        %and3A_301 = arith.constant 1 : i32
        %and3A_302 = vector.broadcast %and3A_301 : i32 to vector<16xi32>
        %and3A_303 = arith.andi %shift_right_arithmetic3A_300, %and3A_302 : vector<16xi32>
        %add3A_304 = arith.addi %add3A_297, %and3A_303 : vector<16xi32>
        %and3A_305 = arith.constant -65536 : i32
        %and3A_306 = vector.broadcast %and3A_305 : i32 to vector<16xi32>
        %and3A_307 = arith.andi %add3A_304, %and3A_306 : vector<16xi32>
        %bitcast_convert_type3A_308 = tpu.bitcast %and3A_307 : vector<16xi32> -> vector<16xf32>
        %mul3A_309 = arith.mulf %bitcast_convert_type3A_308, %get3A_293 : vector<16xf32>
        %add3A_310 = arith.addf %add3A_273, %mul3A_309 : vector<16xf32>
        scf.yield %add3A_310 : vector<16xf32>
      }
      %scan3A_135 = arith.constant 16 : i32
      %mul3A_136 = arith.constant 8 : i32
      %mul3A_137 = arith.muli %scan3A_13, %mul3A_136 : i32
      %add3A_138 = arith.constant 6 : i32
      %add3A_139 = arith.addi %mul3A_137, %add3A_138 : i32
      %mul3A_140 = arith.constant 16 : i32
      %mul3A_141 = arith.muli %add3A_139, %mul3A_140 : i32
      %swap3A_142 = arith.index_cast %mul3A_141 : i32 to index
      %swap3A_143 = tpu.vector_load %arg7[%swap3A_142] {strides = array<i32>} : memref<1024xf32, #tpu.memory_space<vmem>>, vector<16xf32>,
      %swap3A_144 = vector.shape_cast %swap3A_143 : vector<16xf32> to vector<16xf32>
      %swap3A_145 = vector.shape_cast %scan3A_134 : vector<16xf32> to vector<16xf32>
      tpu.vector_store %arg7[%swap3A_142], %swap3A_145 {strides = array<i32>} : memref<1024xf32, #tpu.memory_space<vmem>>, vector<16xf32>,
      %broadcast_in_dim3A_146 = arith.constant 0.000000e+00 : f32
      %broadcast_in_dim3A_147 = vector.broadcast %broadcast_in_dim3A_146 : f32 to vector<16xf32>
      %scan3A_148 = arith.constant 0 : i32
      %scan3A_149 = arith.constant 16 : i32
      %scan3A_150 = arith.addi %scan3A_148, %scan3A_149 : i32
      %scan3A_151 = arith.constant 1 : i32
      %scan3A_152 = scf.for %scan3A_165 = %scan3A_148 to %scan3A_150 step %scan3A_151 iter_args(%scan3A_166 = %broadcast_in_dim3A_147) -> (vector<16xf32>)  : i32 {
        %mul3A_167 = arith.constant 4 : i32
        %mul3A_168 = arith.muli %scan3A_165, %mul3A_167 : i32
        %add3A_169 = arith.constant 0 : i32
        %add3A_170 = arith.addi %mul3A_168, %add3A_169 : i32
        %mul3A_171 = arith.constant 16 : i32
        %mul3A_172 = arith.muli %add3A_170, %mul3A_171 : i32
        %get3A = arith.constant 7 : i32
        %get3A_173 = arith.index_cast %get3A : i32 to index
        %get3A_174 = arith.index_cast %mul3A_172 : i32 to index
        %get3A_175 = tpu.vector_load %arg5[%get3A_173, %get3A_174] {strides = array<i32>} : memref<8x1024xf32, #tpu.memory_space<vmem>>, vector<1x16xf32>,
        %get3A_176 = vector.shape_cast %get3A_175 : vector<1x16xf32> to vector<16xf32>
        %mul3A_177 = arith.constant 4 : i32
        %mul3A_178 = arith.muli %scan3A_165, %mul3A_177 : i32
        %add3A_179 = arith.constant 0 : i32
        %add3A_180 = arith.addi %mul3A_178, %add3A_179 : i32
        %mul3A_181 = arith.constant 16 : i32
        %mul3A_182 = arith.muli %add3A_180, %mul3A_181 : i32
        %get3A_183 = arith.index_cast %mul3A_182 : i32 to index
        %get3A_184 = tpu.vector_load %arg6[%get3A_183] {strides = array<i32>} : memref<1024xf32, #tpu.memory_space<vmem>>, vector<16xf32>,
        %get3A_185 = vector.shape_cast %get3A_184 : vector<16xf32> to vector<16xf32>
        %bitcast_convert_type3A = tpu.bitcast %get3A_176 : vector<16xf32> -> vector<16xi32>
        %add3A_186 = arith.constant 32767 : i32
        %add3A_187 = vector.broadcast %add3A_186 : i32 to vector<16xi32>
        %add3A_188 = arith.addi %bitcast_convert_type3A, %add3A_187 : vector<16xi32>
        %shift_right_arithmetic3A = arith.constant 16 : i32
        %shift_right_arithmetic3A_189 = vector.broadcast %shift_right_arithmetic3A : i32 to vector<16xi32>
        %shift_right_arithmetic3A_190 = arith.shrsi %bitcast_convert_type3A, %shift_right_arithmetic3A_189 : vector<16xi32>
        %and3A = arith.constant 1 : i32
        %and3A_191 = vector.broadcast %and3A : i32 to vector<16xi32>
        %and3A_192 = arith.andi %shift_right_arithmetic3A_190, %and3A_191 : vector<16xi32>
        %add3A_193 = arith.addi %add3A_188, %and3A_192 : vector<16xi32>
        %and3A_194 = arith.constant -65536 : i32
        %and3A_195 = vector.broadcast %and3A_194 : i32 to vector<16xi32>
        %and3A_196 = arith.andi %add3A_193, %and3A_195 : vector<16xi32>
        %bitcast_convert_type3A_197 = tpu.bitcast %and3A_196 : vector<16xi32> -> vector<16xf32>
        %mul3A_198 = arith.mulf %bitcast_convert_type3A_197, %get3A_185 : vector<16xf32>
        %add3A_199 = arith.addf %scan3A_166, %mul3A_198 : vector<16xf32>
        %mul3A_200 = arith.constant 4 : i32
        %mul3A_201 = arith.muli %scan3A_165, %mul3A_200 : i32
        %add3A_202 = arith.constant 1 : i32
        %add3A_203 = arith.addi %mul3A_201, %add3A_202 : i32
        %mul3A_204 = arith.constant 16 : i32
        %mul3A_205 = arith.muli %add3A_203, %mul3A_204 : i32
        %get3A_206 = arith.constant 7 : i32
        %get3A_207 = arith.index_cast %get3A_206 : i32 to index
        %get3A_208 = arith.index_cast %mul3A_205 : i32 to index
        %get3A_209 = tpu.vector_load %arg5[%get3A_207, %get3A_208] {strides = array<i32>} : memref<8x1024xf32, #tpu.memory_space<vmem>>, vector<1x16xf32>,
        %get3A_210 = vector.shape_cast %get3A_209 : vector<1x16xf32> to vector<16xf32>
        %mul3A_211 = arith.constant 4 : i32
        %mul3A_212 = arith.muli %scan3A_165, %mul3A_211 : i32
        %add3A_213 = arith.constant 1 : i32
        %add3A_214 = arith.addi %mul3A_212, %add3A_213 : i32
        %mul3A_215 = arith.constant 16 : i32
        %mul3A_216 = arith.muli %add3A_214, %mul3A_215 : i32
        %get3A_217 = arith.index_cast %mul3A_216 : i32 to index
        %get3A_218 = tpu.vector_load %arg6[%get3A_217] {strides = array<i32>} : memref<1024xf32, #tpu.memory_space<vmem>>, vector<16xf32>,
        %get3A_219 = vector.shape_cast %get3A_218 : vector<16xf32> to vector<16xf32>
        %bitcast_convert_type3A_220 = tpu.bitcast %get3A_210 : vector<16xf32> -> vector<16xi32>
        %add3A_221 = arith.constant 32767 : i32
        %add3A_222 = vector.broadcast %add3A_221 : i32 to vector<16xi32>
        %add3A_223 = arith.addi %bitcast_convert_type3A_220, %add3A_222 : vector<16xi32>
        %shift_right_arithmetic3A_224 = arith.constant 16 : i32
        %shift_right_arithmetic3A_225 = vector.broadcast %shift_right_arithmetic3A_224 : i32 to vector<16xi32>
        %shift_right_arithmetic3A_226 = arith.shrsi %bitcast_convert_type3A_220, %shift_right_arithmetic3A_225 : vector<16xi32>
        %and3A_227 = arith.constant 1 : i32
        %and3A_228 = vector.broadcast %and3A_227 : i32 to vector<16xi32>
        %and3A_229 = arith.andi %shift_right_arithmetic3A_226, %and3A_228 : vector<16xi32>
        %add3A_230 = arith.addi %add3A_223, %and3A_229 : vector<16xi32>
        %and3A_231 = arith.constant -65536 : i32
        %and3A_232 = vector.broadcast %and3A_231 : i32 to vector<16xi32>
        %and3A_233 = arith.andi %add3A_230, %and3A_232 : vector<16xi32>
        %bitcast_convert_type3A_234 = tpu.bitcast %and3A_233 : vector<16xi32> -> vector<16xf32>
        %mul3A_235 = arith.mulf %bitcast_convert_type3A_234, %get3A_219 : vector<16xf32>
        %add3A_236 = arith.addf %add3A_199, %mul3A_235 : vector<16xf32>
        %mul3A_237 = arith.constant 4 : i32
        %mul3A_238 = arith.muli %scan3A_165, %mul3A_237 : i32
        %add3A_239 = arith.constant 2 : i32
        %add3A_240 = arith.addi %mul3A_238, %add3A_239 : i32
        %mul3A_241 = arith.constant 16 : i32
        %mul3A_242 = arith.muli %add3A_240, %mul3A_241 : i32
        %get3A_243 = arith.constant 7 : i32
        %get3A_244 = arith.index_cast %get3A_243 : i32 to index
        %get3A_245 = arith.index_cast %mul3A_242 : i32 to index
        %get3A_246 = tpu.vector_load %arg5[%get3A_244, %get3A_245] {strides = array<i32>} : memref<8x1024xf32, #tpu.memory_space<vmem>>, vector<1x16xf32>,
        %get3A_247 = vector.shape_cast %get3A_246 : vector<1x16xf32> to vector<16xf32>
        %mul3A_248 = arith.constant 4 : i32
        %mul3A_249 = arith.muli %scan3A_165, %mul3A_248 : i32
        %add3A_250 = arith.constant 2 : i32
        %add3A_251 = arith.addi %mul3A_249, %add3A_250 : i32
        %mul3A_252 = arith.constant 16 : i32
        %mul3A_253 = arith.muli %add3A_251, %mul3A_252 : i32
        %get3A_254 = arith.index_cast %mul3A_253 : i32 to index
        %get3A_255 = tpu.vector_load %arg6[%get3A_254] {strides = array<i32>} : memref<1024xf32, #tpu.memory_space<vmem>>, vector<16xf32>,
        %get3A_256 = vector.shape_cast %get3A_255 : vector<16xf32> to vector<16xf32>
        %bitcast_convert_type3A_257 = tpu.bitcast %get3A_247 : vector<16xf32> -> vector<16xi32>
        %add3A_258 = arith.constant 32767 : i32
        %add3A_259 = vector.broadcast %add3A_258 : i32 to vector<16xi32>
        %add3A_260 = arith.addi %bitcast_convert_type3A_257, %add3A_259 : vector<16xi32>
        %shift_right_arithmetic3A_261 = arith.constant 16 : i32
        %shift_right_arithmetic3A_262 = vector.broadcast %shift_right_arithmetic3A_261 : i32 to vector<16xi32>
        %shift_right_arithmetic3A_263 = arith.shrsi %bitcast_convert_type3A_257, %shift_right_arithmetic3A_262 : vector<16xi32>
        %and3A_264 = arith.constant 1 : i32
        %and3A_265 = vector.broadcast %and3A_264 : i32 to vector<16xi32>
        %and3A_266 = arith.andi %shift_right_arithmetic3A_263, %and3A_265 : vector<16xi32>
        %add3A_267 = arith.addi %add3A_260, %and3A_266 : vector<16xi32>
        %and3A_268 = arith.constant -65536 : i32
        %and3A_269 = vector.broadcast %and3A_268 : i32 to vector<16xi32>
        %and3A_270 = arith.andi %add3A_267, %and3A_269 : vector<16xi32>
        %bitcast_convert_type3A_271 = tpu.bitcast %and3A_270 : vector<16xi32> -> vector<16xf32>
        %mul3A_272 = arith.mulf %bitcast_convert_type3A_271, %get3A_256 : vector<16xf32>
        %add3A_273 = arith.addf %add3A_236, %mul3A_272 : vector<16xf32>
        %mul3A_274 = arith.constant 4 : i32
        %mul3A_275 = arith.muli %scan3A_165, %mul3A_274 : i32
        %add3A_276 = arith.constant 3 : i32
        %add3A_277 = arith.addi %mul3A_275, %add3A_276 : i32
        %mul3A_278 = arith.constant 16 : i32
        %mul3A_279 = arith.muli %add3A_277, %mul3A_278 : i32
        %get3A_280 = arith.constant 7 : i32
        %get3A_281 = arith.index_cast %get3A_280 : i32 to index
        %get3A_282 = arith.index_cast %mul3A_279 : i32 to index
        %get3A_283 = tpu.vector_load %arg5[%get3A_281, %get3A_282] {strides = array<i32>} : memref<8x1024xf32, #tpu.memory_space<vmem>>, vector<1x16xf32>,
        %get3A_284 = vector.shape_cast %get3A_283 : vector<1x16xf32> to vector<16xf32>
        %mul3A_285 = arith.constant 4 : i32
        %mul3A_286 = arith.muli %scan3A_165, %mul3A_285 : i32
        %add3A_287 = arith.constant 3 : i32
        %add3A_288 = arith.addi %mul3A_286, %add3A_287 : i32
        %mul3A_289 = arith.constant 16 : i32
        %mul3A_290 = arith.muli %add3A_288, %mul3A_289 : i32
        %get3A_291 = arith.index_cast %mul3A_290 : i32 to index
        %get3A_292 = tpu.vector_load %arg6[%get3A_291] {strides = array<i32>} : memref<1024xf32, #tpu.memory_space<vmem>>, vector<16xf32>,
        %get3A_293 = vector.shape_cast %get3A_292 : vector<16xf32> to vector<16xf32>
        %bitcast_convert_type3A_294 = tpu.bitcast %get3A_284 : vector<16xf32> -> vector<16xi32>
        %add3A_295 = arith.constant 32767 : i32
        %add3A_296 = vector.broadcast %add3A_295 : i32 to vector<16xi32>
        %add3A_297 = arith.addi %bitcast_convert_type3A_294, %add3A_296 : vector<16xi32>
        %shift_right_arithmetic3A_298 = arith.constant 16 : i32
        %shift_right_arithmetic3A_299 = vector.broadcast %shift_right_arithmetic3A_298 : i32 to vector<16xi32>
        %shift_right_arithmetic3A_300 = arith.shrsi %bitcast_convert_type3A_294, %shift_right_arithmetic3A_299 : vector<16xi32>
        %and3A_301 = arith.constant 1 : i32
        %and3A_302 = vector.broadcast %and3A_301 : i32 to vector<16xi32>
        %and3A_303 = arith.andi %shift_right_arithmetic3A_300, %and3A_302 : vector<16xi32>
        %add3A_304 = arith.addi %add3A_297, %and3A_303 : vector<16xi32>
        %and3A_305 = arith.constant -65536 : i32
        %and3A_306 = vector.broadcast %and3A_305 : i32 to vector<16xi32>
        %and3A_307 = arith.andi %add3A_304, %and3A_306 : vector<16xi32>
        %bitcast_convert_type3A_308 = tpu.bitcast %and3A_307 : vector<16xi32> -> vector<16xf32>
        %mul3A_309 = arith.mulf %bitcast_convert_type3A_308, %get3A_293 : vector<16xf32>
        %add3A_310 = arith.addf %add3A_273, %mul3A_309 : vector<16xf32>
        scf.yield %add3A_310 : vector<16xf32>
      }
      %scan3A_153 = arith.constant 16 : i32
      %mul3A_154 = arith.constant 8 : i32
      %mul3A_155 = arith.muli %scan3A_13, %mul3A_154 : i32
      %add3A_156 = arith.constant 7 : i32
      %add3A_157 = arith.addi %mul3A_155, %add3A_156 : i32
      %mul3A_158 = arith.constant 16 : i32
      %mul3A_159 = arith.muli %add3A_157, %mul3A_158 : i32
      %swap3A_160 = arith.index_cast %mul3A_159 : i32 to index
      %swap3A_161 = tpu.vector_load %arg7[%swap3A_160] {strides = array<i32>} : memref<1024xf32, #tpu.memory_space<vmem>>, vector<16xf32>,
      %swap3A_162 = vector.shape_cast %swap3A_161 : vector<16xf32> to vector<16xf32>
      %swap3A_163 = vector.shape_cast %scan3A_152 : vector<16xf32> to vector<16xf32>
      tpu.vector_store %arg7[%swap3A_160], %swap3A_163 {strides = array<i32>} : memref<1024xf32, #tpu.memory_space<vmem>>, vector<16xf32>,
      %scan3A_164 = arith.constant 0 : i32
      scf.yield %scan3A_164 : i32
    }
    %scan3A_6 = arith.constant 8 : i32
    %mul3A_7 = arith.constant 8 : i32
    %mul3A_8 = arith.muli %add3A, %mul3A_7 : i32
    %mul3A_9 = arith.constant 8 : i32
    %mul3A_10 = arith.muli %mul3A_8, %mul3A_9 : i32
    %mul3A_11 = arith.constant 16 : i32
    %mul3A_12 = arith.muli %mul3A_10, %mul3A_11 : i32
    "tpu.region"() ({
      %run_scoped3A = tpu.sem_alloc : memref<!tpu.dma_semaphore, #tpu.memory_space<semaphore_mem>>
      %dma_start3A = tpu.memref_slice %arg4[%mul3A_12] : memref<32768xf32, #tpu.memory_space<hbm>> -> memref<1024xf32, #tpu.memory_space<hbm>>
      %dma_start3A_13 = tpu.memref_slice %arg4[%mul3A_12] : memref<32768xf32, #tpu.memory_space<hbm>> -> memref<1024xf32, #tpu.memory_space<hbm>>
      tpu.enqueue_dma source(%arg7 : memref<1024xf32, #tpu.memory_space<vmem>>) target(%dma_start3A_13 : memref<1024xf32, #tpu.memory_space<hbm>>) target_semaphore(%run_scoped3A : memref<!tpu.dma_semaphore, #tpu.memory_space<semaphore_mem>>)
      %dma_wait3A = tpu.memref_slice %arg4[%mul3A_12] : memref<32768xf32, #tpu.memory_space<hbm>> -> memref<1024xf32, #tpu.memory_space<hbm>>
      %dma_wait3A_14 = tpu.memref_slice %arg4[%mul3A_12] : memref<32768xf32, #tpu.memory_space<hbm>> -> memref<1024xf32, #tpu.memory_space<hbm>>
      tpu.wait_dma2 semaphore(%run_scoped3A : memref<!tpu.dma_semaphore, #tpu.memory_space<semaphore_mem>>) src(%arg7 : memref<1024xf32, #tpu.memory_space<vmem>>) dst(%dma_wait3A_14 : memref<1024xf32, #tpu.memory_space<hbm>>)
      tpu.yield
    }) : () -> ()
    return
  }
}

module attributes {stable_mosaic.version = 14 : i64} {
  func.func @_score_body(%arg0: i32, %arg1: memref<1x2048x1024xf32, #tpu.memory_space<vmem>>, %arg2: memref<8x1024xbf16, #tpu.memory_space<vmem>>, %arg3: memref<1xf32, #tpu.memory_space<vmem>>, %arg4: memref<1x1x2048xf32, #tpu.memory_space<vmem>>) attributes {dimension_semantics = [#tpu.dimension_semantics<parallel>], iteration_bounds = array<i64: 15>, scalar_prefetch = 0 : i64, scratch_operands = 0 : i64, tpu.core_type = #tpu.core_type<tc>, window_params = [{transform_indices = @transform_0, window_bounds = array<i64: 1, 2048, 1024>}, {pipeline_mode = #tpu.pipeline_mode<synchronous>, transform_indices = @transform_1, window_bounds = array<i64: 8, 1024>}, {pipeline_mode = #tpu.pipeline_mode<synchronous>, transform_indices = @transform_2, window_bounds = array<i64: 1>}, {transform_indices = @transform_3, window_bounds = array<i64: 1, 1, 2048>}]} {
    %get3A = arith.constant 0 : index
    %get3A_0 = arith.constant 0 : index
    %get3A_1 = vector.load %arg2[%get3A, %get3A_0] : memref<8x1024xbf16, #tpu.memory_space<vmem>>, vector<8x1024xbf16>
    %get3A_2 = arith.constant 0 : index
    %get3A_3 = arith.constant 0 : index
    %get3A_4 = arith.constant 0 : index
    %get3A_5 = vector.load %arg1[%get3A_2, %get3A_3, %get3A_4] : memref<1x2048x1024xf32, #tpu.memory_space<vmem>>, vector<1x2048x1024xf32>
    %get3A_6 = vector.shape_cast %get3A_5 : vector<1x2048x1024xf32> to vector<2048x1024xf32>
    %convert_element_type3A = arith.truncf %get3A_6 : vector<2048x1024xf32> to vector<2048x1024xbf16>
    %dot_general3A = arith.constant dense<0.000000e+00> : vector<8x2048xf32>
    %dot_general3A_7 = tpu.matmul %get3A_1, %convert_element_type3A, %dot_general3A {dimension_numbers = #tpu.dot_dimension_numbers<[1], [1], [0], [0], [0, 0, 1, 0], [], []>, transpose_lhs_hint = false} : vector<8x1024xbf16>, vector<2048x1024xbf16>, vector<8x2048xf32> -> vector<8x2048xf32>
    %slice3A = vector.extract_strided_slice %dot_general3A_7 {offsets = [0, 0], sizes = [1, 2048], strides = [1, 1]} : vector<8x2048xf32> to vector<1x2048xf32>
    %squeeze3A = vector.shape_cast %slice3A : vector<1x2048xf32> to vector<2048xf32>
    %get3A_8 = arith.constant 0 : index
    %get3A_9 = vector.load %arg3[%get3A_8] : memref<1xf32, #tpu.memory_space<vmem>>, vector<1xf32>
    %get3A_10 = vector.extract %get3A_9[0] : f32 from vector<1xf32>
    %add3A = vector.broadcast %get3A_10 : f32 to vector<2048xf32>
    %add3A_11 = arith.addf %squeeze3A, %add3A : vector<2048xf32>
    %logistic3A = arith.negf %add3A_11 : vector<2048xf32>
    %logistic3A_12 = math.exp %logistic3A : vector<2048xf32>
    %logistic3A_13 = arith.constant 1.000000e+00 : f32
    %logistic3A_14 = vector.broadcast %logistic3A_13 : f32 to vector<2048xf32>
    %logistic3A_15 = arith.addf %logistic3A_14, %logistic3A_12 : vector<2048xf32>
    %logistic3A_16 = arith.divf %logistic3A_14, %logistic3A_15 : vector<2048xf32>
    %swap3A = arith.constant 0 : index
    %swap3A_17 = arith.constant 0 : index
    %swap3A_18 = arith.constant 0 : index
    %swap3A_19 = vector.load %arg4[%swap3A, %swap3A_17, %swap3A_18] : memref<1x1x2048xf32, #tpu.memory_space<vmem>>, vector<1x1x2048xf32>
    %swap3A_20 = vector.shape_cast %swap3A_19 : vector<1x1x2048xf32> to vector<2048xf32>
    %swap3A_21 = vector.shape_cast %logistic3A_16 : vector<2048xf32> to vector<1x1x2048xf32>
    tpu.vector_store %arg4[%swap3A, %swap3A_17, %swap3A_18], %swap3A_21 {strides = array<i32>} : memref<1x1x2048xf32, #tpu.memory_space<vmem>>, vector<1x1x2048xf32>,
    return
  }
  func.func @transform_0(%arg0: i32) -> (i32, i32, i32) {
    %c0_i32 = arith.constant 0 : i32
    %c0_i32_0 = arith.constant 0 : i32
    %c0_i32_1 = arith.constant 0 : i32
    return %arg0, %c0_i32, %c0_i32_0 : i32, i32, i32
  }
  func.func @transform_1(%arg0: i32) -> (i32, i32) {
    %c0_i32 = arith.constant 0 : i32
    %c0_i32_0 = arith.constant 0 : i32
    %c0_i32_1 = arith.constant 0 : i32
    return %c0_i32, %c0_i32_0 : i32, i32
  }
  func.func @transform_2(%arg0: i32) -> i32 {
    %c0_i32 = arith.constant 0 : i32
    %c0_i32_0 = arith.constant 0 : i32
    return %c0_i32 : i32
  }
  func.func @transform_3(%arg0: i32) -> (i32, i32, i32) {
    %c0_i32 = arith.constant 0 : i32
    %c0_i32_0 = arith.constant 0 : i32
    %c0_i32_1 = arith.constant 0 : i32
    return %arg0, %c0_i32, %c0_i32_0 : i32, i32, i32
  }
}

module attributes {stable_mosaic.version = 14 : i64} {
  func.func @_finalize_body(%arg0: memref<3x8192xf32, #tpu.memory_space<vmem>>, %arg1: memref<1x6144xf32, #tpu.memory_space<vmem>>, %arg2: memref<2048x16xf32, #tpu.memory_space<vmem>>, %arg3: memref<1xf32, #tpu.memory_space<vmem>>, %arg4: memref<4x8192xf32, #tpu.memory_space<vmem>>, %arg5: memref<4x8192xi8, #tpu.memory_space<vmem>>) attributes {dimension_semantics = [], scalar_prefetch = 0 : i64, scratch_operands = 0 : i64, tpu.core_type = #tpu.core_type<tc>} {
    %get3A = arith.constant 0 : index
    %get3A_0 = arith.constant 0 : index
    %get3A_1 = vector.load %arg2[%get3A, %get3A_0] : memref<2048x16xf32, #tpu.memory_space<vmem>>, vector<2048x16xf32>
    %reduce_sum3A = arith.constant dense<0.000000e+00> : vector<2048xf32>
    %reduce_sum3A_2 = vector.multi_reduction <add>, %get3A_1, %reduce_sum3A [1] : vector<2048x16xf32> to vector<2048xf32>
    %get3A_3 = arith.constant 0 : index
    %get3A_4 = vector.load %arg3[%get3A_3] : memref<1xf32, #tpu.memory_space<vmem>>, vector<1xf32>
    %get3A_5 = vector.extract %get3A_4[0] : f32 from vector<1xf32>
    %add3A = vector.broadcast %get3A_5 : f32 to vector<2048xf32>
    %add3A_6 = arith.addf %reduce_sum3A_2, %add3A : vector<2048xf32>
    %logistic3A = arith.negf %add3A_6 : vector<2048xf32>
    %logistic3A_7 = math.exp %logistic3A : vector<2048xf32>
    %logistic3A_8 = arith.constant 1.000000e+00 : f32
    %logistic3A_9 = vector.broadcast %logistic3A_8 : f32 to vector<2048xf32>
    %logistic3A_10 = arith.addf %logistic3A_9, %logistic3A_7 : vector<2048xf32>
    %logistic3A_11 = arith.divf %logistic3A_9, %logistic3A_10 : vector<2048xf32>
    %get3A_12 = arith.constant 0 : index
    %get3A_13 = arith.constant 0 : index
    %get3A_14 = vector.load %arg1[%get3A_12, %get3A_13] : memref<1x6144xf32, #tpu.memory_space<vmem>>, vector<1x6144xf32>
    %reshape3A = vector.shape_cast %logistic3A_11 : vector<2048xf32> to vector<1x2048xf32>
    %concatenate3A = tpu.concatenate %get3A_14, %reshape3A in 1 : vector<1x6144xf32>, vector<1x2048xf32> -> vector<1x8192xf32>
    %get3A_15 = arith.constant 0 : index
    %get3A_16 = arith.constant 0 : index
    %get3A_17 = vector.load %arg0[%get3A_15, %get3A_16] : memref<3x8192xf32, #tpu.memory_space<vmem>>, vector<3x8192xf32>
    %concatenate3A_18 = tpu.concatenate %get3A_17, %concatenate3A in 0 : vector<3x8192xf32>, vector<1x8192xf32> -> vector<4x8192xf32>
    %bitcast_convert_type3A = tpu.bitcast %concatenate3A_18 : vector<4x8192xf32> -> vector<4x8192xi32>
    %broadcast_in_dim3A = arith.constant 0 : i32
    %broadcast_in_dim3A_19 = vector.broadcast %broadcast_in_dim3A : i32 to vector<4x1xi32>
    %scan3A = arith.constant 0 : i32
    %scan3A_20 = arith.constant 31 : i32
    %scan3A_21 = arith.addi %scan3A, %scan3A_20 : i32
    %scan3A_22 = arith.constant 1 : i32
    %scan3A_23 = scf.for %scan3A_32 = %scan3A to %scan3A_21 step %scan3A_22 iter_args(%scan3A_33 = %broadcast_in_dim3A_19) -> (vector<4x1xi32>)  : i32 {
      %sub3A = arith.constant 30 : i32
      %sub3A_34 = arith.subi %sub3A, %scan3A_32 : i32
      %shift_left3A = arith.constant 1 : i32
      %shift_left3A_35 = arith.shli %shift_left3A, %sub3A_34 : i32
      %or3A = vector.broadcast %shift_left3A_35 : i32 to vector<4x1xi32>
      %or3A_36 = arith.ori %scan3A_33, %or3A : vector<4x1xi32>
      %ge3A_37 = vector.broadcast %or3A_36 : vector<4x1xi32> to vector<4x8192xi32>
      %ge3A_38 = arith.cmpi sge, %bitcast_convert_type3A, %ge3A_37 : vector<4x8192xi32>
      %convert_element_type3A_39 = arith.extui %ge3A_38 : vector<4x8192xi1> to vector<4x8192xi32>
      %reduce_sum3A_40 = arith.constant dense<0> : vector<4xi32>
      %reduce_sum3A_41 = vector.multi_reduction <add>, %convert_element_type3A_39, %reduce_sum3A_40 [1] : vector<4x8192xi32> to vector<4xi32>
      %broadcast_in_dim3A_42 = vector.shape_cast %reduce_sum3A_41 : vector<4xi32> to vector<4x1xi32>
      %ge3A_43 = arith.constant 4096 : i32
      %ge3A_44 = vector.broadcast %ge3A_43 : i32 to vector<4x1xi32>
      %ge3A_45 = arith.cmpi sge, %broadcast_in_dim3A_42, %ge3A_44 : vector<4x1xi32>
      %select_n3A = arith.select %ge3A_45, %or3A_36, %scan3A_33 : vector<4x1xi1>, vector<4x1xi32>
      scf.yield %select_n3A : vector<4x1xi32>
    }
    %scan3A_24 = arith.constant 31 : i32
    %bitcast_convert_type3A_25 = tpu.bitcast %scan3A_23 : vector<4x1xi32> -> vector<4x1xf32>
    %swap3A = arith.constant 0 : index
    %swap3A_26 = arith.constant 0 : index
    %swap3A_27 = vector.load %arg4[%swap3A, %swap3A_26] : memref<4x8192xf32, #tpu.memory_space<vmem>>, vector<4x8192xf32>
    tpu.vector_store %arg4[%swap3A, %swap3A_26], %concatenate3A_18 {strides = array<i32>} : memref<4x8192xf32, #tpu.memory_space<vmem>>, vector<4x8192xf32>,
    %ge3A = vector.broadcast %bitcast_convert_type3A_25 : vector<4x1xf32> to vector<4x8192xf32>
    %ge3A_28 = arith.cmpf oge, %concatenate3A_18, %ge3A : vector<4x8192xf32>
    %convert_element_type3A = arith.extui %ge3A_28 : vector<4x8192xi1> to vector<4x8192xi8>
    %swap3A_29 = arith.constant 0 : index
    %swap3A_30 = arith.constant 0 : index
    %swap3A_31 = vector.load %arg5[%swap3A_29, %swap3A_30] : memref<4x8192xi8, #tpu.memory_space<vmem>>, vector<4x8192xi8>
    tpu.vector_store %arg5[%swap3A_29, %swap3A_30], %convert_element_type3A {strides = array<i32>} : memref<4x8192xi8, #tpu.memory_space<vmem>>, vector<4x8192xi8>,
    return
  }
}

</mosaic_0001>

<sc_bundles>
// kernel: kernel.5.cloned.1.call-start
scs
__scs_entry_jumppad:
0x0: {  	(pc) =	sbr.rel $0x88, $3  }
0x1: {  	(tag) =	ssettag $0x0;
	lr =	simm.s32 $0x1  }
0x2: {  	[smem:$0x3F9E] =	sst lr;
	_ =	strace $0xD0000000  }
0x3: {  	_ = 	snop  }
0x4: {  	_ = 	snop  }
0x5: {  	_ = 	snop  }
0x6: {  	_ = 	snop  }
0x7: {  	_ = 	snop  }
__scs_overlays_trampoline_lowered:
0x8: {  	[smem:$0x3FAD] =	sst s0  }
0x9: {  	[smem:$0x3FAE] =	sst s1  }
0xa: {  	[smem:$0x3FAF] =	sst s2  }
0xb: {  	[smem:$0x3FB0] =	sst s3  }
0xc: {  	[smem:$0x3FB1] =	sst s4  }
0xd: {  	[smem:$0x3FB2] =	sst s5  }
0xe: {  	[smem:$0x3FB3] =	sst s6  }
0xf: {  	[smem:$0x3FB4] =	sst s7  }
0x10: {  	[smem:$0x3FB5] =	sst s8  }
0x11: {  	[smem:$0x3FB6] =	sst s9;
	s0 =	simm.s32 @!p0 $0x0  }
0x12: {  	s1 =	sld [smem:$0x3F9C];
	s0 =	simm.s32 @p0 $0x1  }
0x13: {  	[smem:$0x3FB7] =	sst s0;
	s0 =	simm.s32 @!p1 $0x0  }
0x14: {  	s2 =	sld [smem:$0x3F9B];
	s0 =	simm.s32 @p1 $0x1  }
0x15: {  	[smem:$0x3FB8] =	sst s0;
	s0 =	simm.s32 @!p2 $0x0  }
0x16: {  	s3 =	sld [smem:$0x3FDB];
	s0 =	simm.s32 @p2 $0x1  }
0x17: {  	s4 =	simm.s32 $0x1BF5;
	[smem:$0x3FBA] =	sst s0  }
0x18: {  	s0 =	sld [smem:$0x3F9D];
	_ =	swait.ge [sflag:s4], $0x0  }
0x19: {  	s7 =	sld [smem:$0x3F9E]  }
0x1a: {  	s8 =	sadd.s32 $0xFFFFE003, lr  }
0x1b: {  	s9 =	sadd.s32 $0xFFFFFEF7, lr;
	s5 =	simm.s32 $0xFFFFFFFF;
	p2 =	slt.u32 s8, $0xFFFFF086  }
0x1c: {  	p1 =	slt.u32 s9, $0xF7A;
	s5 =	simm.s32 @!p2 $0x0  }
0x1d: {  	s5 =	simm.s32 @p1 $0x1;
	p0 =	seq.s32 s7, s2  }
0x1e: {  	s7 =	smul.u32 @!p0 $0xF7A, s2;
	p2 =	seq.s32 @!p0 s5, $0x0  }
0x1f: {  	s9 =	smul.u32 $0xF7A, s1;
	s8 =	simm.s32 @!p0 $0x1BF5;
	p2 =	por !p2, p0  }
0x20: {  	[sflag:s8] =	ssyncset.s32 @!p0 $0xFFFFF086;
	s6 =	sadd.s32 @!p0 s3, s7;
	s7 =	simm.s32 @!p0 $0x108  }
0x21: {  	s3 =	sadd.s32 s3, s9;
	s6 =	sadd.s32 @!p0 $0x88, s6;
	s7 =	simm.s32 @p2 $0x1082  }
0x22: {  	[simem:s7], [sflag:s8] =	dma.local @!p0 [hbm:s6], $0xF7A  }
0x23: {  	s9 =	sor.u32 $0xD0000000, s2;
	s6 =	simm.s32 $0x108;
	_ =	swait.ge @!p0 [sflag:s8], $0x0  }
0x24: {  	s3 =	sadd.s32 $0x88, s3;
	s6 =	simm.s32 @!p1 $0x1082;
	[sflag:s4] =	ssyncset.s32 $0xFFFFF086  }
0x25: {  	[simem:s6], [sflag:s4] =	dma.local [hbm:s3], $0xF7A  }
0x26: {  	[smem:$0x3F9E] =	sst s1;
	(tag) =	ssettag s2;
	_ =	strace s9  }
0x27: {  	s1 =	sld [smem:$0x3FAE]  }
0x28: {  	s2 =	sld [smem:$0x3FAF]  }
0x29: {  	s4 =	sld [smem:$0x3FB1]  }
0x2a: {  	p0 =	seq.s32 s5, $0x0;
	s5 =	sld [smem:$0x3FB2]  }
0x2b: {  	s6 =	sld [smem:$0x3FB3]  }
0x2c: {  	s7 =	sld [smem:$0x3FB4]  }
0x2d: {  	s3 =	simm.s32 $0x108;
	s8 =	sld [smem:$0x3FB5]  }
0x2e: {  	s3 =	simm.s32 @!p0 $0x1082;
	s9 =	sld [smem:$0x3FB6]  }
0x2f: {  	lr =	sadd.s32 s0, s3;
	s0 =	sld [smem:$0x3FAD]  }
0x30: {  	s3 =	sld [smem:$0x3FB0]  }
0x31: {  	[smem:$0x3FB9] =	sst s10  }
0x32: {  	s10 =	sld [smem:$0x3FB7];
	_ =	sdelay $0x3  }
0x33: {  	p0 =	seq.s32 s10, $0x1;
	s10 =	sld [smem:$0x3FB9];
	_ =	sdelay $0x3  }
0x34: {  	[smem:$0x3FB9] =	sst s10  }
0x35: {  	s10 =	sld [smem:$0x3FB8];
	_ =	sdelay $0x3  }
0x36: {  	p1 =	seq.s32 s10, $0x1;
	s10 =	sld [smem:$0x3FB9];
	_ =	sdelay $0x3  }
0x37: {  	[smem:$0x3FB9] =	sst s10  }
0x38: {  	s10 =	sld [smem:$0x3FBA]  }
0x39: {  	_ = 	snop;
	(pc) =	sbr.ind lr, $3  }
0x3a: {  	_ = 	snop  }
0x3b: {  	_ = 	snop  }
0x3c: {  	p2 =	seq.s32 s10, $0x1;
	s10 =	sld [smem:$0x3FB9]  }
0x3d: {  	_ =	shalt  }
0x3e: {  	_ =	shalt  }
0x3f: {  	_ =	shalt  }
0x40: {  	_ =	shalt  }
0x41: {  	_ =	shalt  }
0x42: {  	_ =	shalt  }
0x43: {  	_ =	shalt  }
0x44: {  	_ =	shalt  }
0x45: {  	_ =	shalt  }
0x46: {  	_ =	shalt  }
0x47: {  	_ =	shalt  }
0x48: {  	_ =	shalt  }
0x49: {  	_ =	shalt  }
0x4a: {  	_ =	shalt  }
0x4b: {  	_ =	shalt  }
0x4c: {  	_ =	shalt  }
0x4d: {  	_ =	shalt  }
0x4e: {  	_ =	shalt  }
0x4f: {  	_ =	shalt  }
0x50: {  	_ =	shalt  }
0x51: {  	_ =	shalt  }
0x52: {  	_ =	shalt  }
0x53: {  	_ =	shalt  }
0x54: {  	_ =	shalt  }
0x55: {  	_ =	shalt  }
0x56: {  	_ =	shalt  }
0x57: {  	_ =	shalt  }
0x58: {  	_ =	shalt  }
0x59: {  	_ =	shalt  }
0x5a: {  	_ =	shalt  }
0x5b: {  	_ =	shalt  }
0x5c: {  	_ =	shalt  }
0x5d: {  	_ =	shalt  }
0x5e: {  	_ =	shalt  }
0x5f: {  	_ =	shalt  }
0x60: {  	_ =	shalt  }
0x61: {  	_ =	shalt  }
0x62: {  	_ =	shalt  }
0x63: {  	_ =	shalt  }
0x64: {  	_ =	shalt  }
0x65: {  	_ =	shalt  }
0x66: {  	_ =	shalt  }
0x67: {  	_ =	shalt  }
0x68: {  	_ =	shalt  }
0x69: {  	_ =	shalt  }
0x6a: {  	_ =	shalt  }
0x6b: {  	_ =	shalt  }
0x6c: {  	_ =	shalt  }
0x6d: {  	_ =	shalt  }
0x6e: {  	_ =	shalt  }
0x6f: {  	_ =	shalt  }
0x70: {  	_ =	shalt  }
0x71: {  	_ =	shalt  }
0x72: {  	_ =	shalt  }
0x73: {  	_ =	shalt  }
0x74: {  	_ =	shalt  }
0x75: {  	_ =	shalt  }
0x76: {  	_ =	shalt  }
0x77: {  	_ =	shalt  }
0x78: {  	_ =	shalt  }
0x79: {  	_ =	shalt  }
0x7a: {  	_ =	shalt  }
0x7b: {  	_ =	shalt  }
0x7c: {  	_ =	shalt  }
0x7d: {  	_ =	shalt  }
0x7e: {  	_ =	shalt  }
0x7f: {  	_ =	shalt  }
0x80: {  	_ =	shalt  }
0x81: {  	_ =	shalt  }
0x82: {  	_ =	shalt  }
0x83: {  	_ =	shalt  }
0x84: {  	_ =	shalt  }
0x85: {  	_ =	shalt  }
0x86: {  	_ =	shalt  }
0x87: {  	_ =	shalt  }
.Lfunc_end0:
.L_simem_size_0:
called_computation_lowered:
.L_overlay_start_0:
0x88: {  	s2 =	sld [smem:$0x3FD9]  }
0x89: {  	s3 =	sld [smem:$0x3FFE];
	_ =	sdelay $0x1  }
0x8a: {  	s1 =	srdreg.scid  }
0x8b: {  	s0 =	sand.u32 $0x1, s1  }
0x8c: {  	s15 =	sshll.u32 s0, $0xA;
	s2 =	sadd.s32 s3, s2  }
0x8d: {  	s2 =	sadd.s32 s2, s15  }
0x8e: {  	[smem:$0x3FC5] =	sst s2  }
0x8f: {  	_ = 	snop  }
0x90: {  	s2 =	sld [smem:$0x3FD0];
	_ =	sdelay $0x2  }
0x91: {  	s4 =	simm.s32 $0xA;
	s5 =	simm.s32 $0x10;
	s16 =	sld [smem:$0x3FC9]  }
0x92: {  	[smem:s5], [sflag:s4] =	dma.local [hbm:s2], $0x1  }
0x93: {  	_ =	swait.eq [sflag:s4], $0x1  }
0x94: {  	[sflag:s4] =	ssyncset.done $0x0  }
0x95: {  	s17 =	sld [smem:$0x10];
	[sflag:s4] =	ssyncadd.s32 $0xFFFFFFFF  }
0x96: {  	s18 =	sld [smem:$0x11];
	(tm) =	ssettm $0x1  }
0x97: {  	s19 =	sld [smem:$0x3FFB];
	_ =	sdelay $0x3  }
0x98: {  	_ =	strace s19  }
0x99: {  	s5 =	sld [smem:$0x3FFC];
	_ =	sdelay $0x3  }
0x9a: {  	_ =	strace s5  }
0x9b: {  	s5 =	sld [smem:$0x3FFD];
	_ =	sdelay $0x3  }
0x9c: {  	_ =	strace s5  }
0x9d: {  	_ =	strace $0x8FFFFFFF  }
0x9e: {  	s20 =	sld [smem:$0x3FDB];
	_ =	sdelay $0x1  }
0x9f: {  	s6 =	simm.s32 $_scs_section_size  }
0xa0: {  	s7 =	simm.s32 $_size__tile_overlayer_lowered;
	s8 =	simm.s32 $_tile_overlayer_lowered  }
0xa1: {  	s23 =	simm.s32 $0x1BFF;
	s22 =	sshll.u32 s8, $0x1;
	s5 =	sadd.s32 s6, s20  }
0xa2: {  	s9 =	simm.s32 $0x0;
	s21 =	sshll.u32 s7, $0x1;
	s7 =	sadd.s32 s22, s5  }
0xa3: {  	[timem:s9], [sflag:s23] =	dma.local [hbm:s7], s21  }
0xa4: {  	_ =	swait.ge [sflag:s23], s21  }
0xa5: {  	s6 =	ssub.s32 $0x0, s21;
	[sflag:s23] =	ssyncset.done $0x0  }
0xa6: {  	[sflag:s23] =	ssyncadd.s32 s6;
	_ =	sdelay $0x1  }
0xa7: {  	s24 =	simm.s32 $0x1B8B  }
0xa8: {  	_ =	swait.ge [sflag:s24], $0x1  }
0xa9: {  	[sflag:s24] =	ssyncset.done $0x0  }
0xaa: {  	s25 =	simm.s32 $0x1B8E;
	[sflag:s24] =	ssyncadd.s32 $0xFFFFFFFF  }
0xab: {  	s26 =	simm.s32 $execute0_lowered;
	[smem:$0x3FD2] =	sst s25  }
0xac: {  	s6 =	sshll.u32 s26, $0x1;
	_ =	strace $0x80000046;
	[dreg:$0x1] =	wrdreg $0xFFFFFFFF  }
0xad: {  	s28 =	simm.s32 $_size_execute0_lowered;
	s5 =	sadd.s32 s5, s6;
	[dreg:$0x0] =	wrdreg $0x0  }
0xae: {  	s6 =	sshll.u32 s28, $0x1;
	[dreg:$0x2] =	wrdreg s5  }
0xaf: {  	[dreg:$0x3] =	wrdreg s6  }
0xb0: {  	[dreg:$0x4] =	wrdreg $0xC0  }
0xb1: {  	_ =	task [dreg:s9], $0x5FFFF  }
0xb2: {  	[dreg:$0x1] =	wrdreg $0xFFFFFFFF  }
0xb3: {  	[dreg:$0x0] =	wrdreg $0x60  }
0xb4: {  	[dreg:$0x2] =	wrdreg s16  }
0xb5: {  	[dreg:$0x3] =	wrdreg s18  }
0xb6: {  	[dreg:$0x4] =	wrdreg s17  }
0xb7: {  	[dreg:$0x5] =	wrdreg $0x9  }
0xb8: {  	_ =	task.clear_ibuf [dreg:s9], $0x6FFFF;
	_ =	strace $0x90000046  }
0xb9: {  	s29 =	simm.s32 $0x9;
	_ =	strace $0x80000048  }
0xba: {  	_ =	swait.ge [sflag:s29], $0x1  }
0xbb: {  	[sflag:s29] =	ssyncadd.s32 $0xFFFFFFFF  }
0xbc: {  	_ =	strace $0x90000048  }
0xbd: {  	_ =	sfence  }
0xbe: {  	s30 =	sld [smem:$0x0];
	_ =	sdelay $0x2  }
0xbf: {  	s31 =	sshll.u32 s1, $0xD;
	s1 =	sshrl.u32 s1, $0x2  }
0xc0: {  	s3 =	sand.u32 $0x4000, s31;
	s1 =	sadd.s32 s1, s30  }
0xc1: {  	s0 =	sor.u32 s3, s0;
	s1 =	sshll.u32 s1, $0x11  }
0xc2: {  	s0 =	sor.u32 s1, s0  }
0xc3: {  	s0 =	sadd.s32 $0x8F2B, s0  }
0xc4: {  	[sflag:s0] =	ssyncadd.remote.s32 $0x1  }
0xc5: {  	_ =	sfence.sel $0xFFFF  }
0xc6: {  	[dreg:$0x0] =	wrdreg $0xFFFFFFFF;
	(pc) =	sbr.abs _section_cstart, $3  }
0xc7: {  	[dreg:$0x1] =	wrdreg $0xFFFFFFFF  }
0xc8: {  	_ =	task.clear_ibuf [dreg:s9], $0x2FFFF;
	_ =	strace $0x9FFFFFFF  }
0xc9: {  	(tm) =	ssettm $0x7FFFFFFF  }
tec
execute0_lowered:
.L_overlay_start_1:
0x0: {  	(tag) =	ssettag $0x1  }
0x1: {  	s4 =	rddreg [dreg:$0x0]  }
0x2: {  	s2 =	rddreg [dreg:$0x1]  }
0x3: {  	s1 =	srdreg.scid;
	s0 =	stileid.u32  }
0x4: {  	s5 =	rddreg [dreg:$0x2];
	s3 =	simm.s32 $0x0;
	s10 =	simm.s32 $0x0  }
0x5: {  	s6 =	sand.u32 $0x1, s1;
	s7 =	sshll.u32 s0, $0x1;
	s1 =	rddreg [dreg:$0x3]  }
0x6: {  	[smem:$0x7FF] =	sst s3;
	s7 =	sor.u32 s6, s7;
	s6 =	ssub.s32 $0x2, s6  }
0x7: {  	_ =	strace $0x80000047;
	s8 =	sshll.u32 s7, $0xD;
	s9 =	sshrl.u32 s6, $0x1  }
0x8: {  	s7 =	sshll.u32 s7, $0x7;
	s4 =	sadd.s32 s8, s4;
	s6 =	ssub.s32 s6, s9  }
0x9: {  	s5 =	sadd.s32 s5, s7;
	s7 =	simm.s32 $0x2000;
	s8 =	simm.s32 $0x1  }
0xa: {  	s9 =	simm.s32 $0x2400;
	s4 =	sadd.s32 $0x3C0000, s4;
	s6 =	smax.u32 s6, $0x1  }
.LBB2_1:
0xb: {  	[tilespmem:s7], [sflag:$0x1] =	stream.linear.gather [hbm4b:s2+s3], $0x400, $0x38;
	[tilespmem:$0x2800] =	vst v63  }
0xc: {  	_ =	swait.ge [sflag:s8], $0x400  }
0xd: {  	[sflag:s8] =	ssyncset.done $0x0  }
0xe: {  	s11 =	simm.s32 $0x0;
	[sflag:s8] =	ssyncadd.s32 $0xFFFFFC00  }
.LBB2_2:
0xf: {  	s12 =	sshll.u32 s11, $0xA  }
0x10: {  	s13 =	simm.s32 $0x0;
	s12 =	sadd.s32 s12, s4  }
0x11: {  	[tilespmem:s13], [sflag:$0x1] =	stream.linear.gather [hbm4b:s12+s13], $0x2000, $0x38;
	[tilespmem:$0x2800] =	vst v63  }
0x12: {  	s18 =	simm.s32 $0x0;
	_ =	swait.ge [sflag:s8], $0x2000  }
0x13: {  	s14 =	sand.u32 $0x40, s13;
	s12 =	sand.u32 $0x1C00, s18;
	[sflag:s8] =	ssyncset.done $0x0  }
0x14: {  	s15 =	sor.u32 s14, s12;
	[sflag:s8] =	ssyncadd.s32 $0xFFFFE000  }
0x15: {  	s19 =	sor.u32 $0x10, s14;
	v0 =	vld [tilespmem:s15+$0x0]  }
0x16: {  	s16 =	sor.u32 $0x30, s14;
	s17 =	sor.u32 s19, s12  }
0x17: {  	s18 =	sor.u32 s16, s12;
	s14 =	sor.u32 $0x20, s14;
	v1 =	vld [tilespmem:s17+$0x0]  }
0x18: {  	s12 =	sor.u32 s14, s12;
	v3 =	vld [tilespmem:s18+$0x0]  }
0x19: {  	s20 =	simm.s32 $0x2000;
	s13 =	sand.u32 $0x380, s13;
	v2 =	vld [tilespmem:s12+$0x0]  }
0x1a: {  	s21 =	sor.u32 $0x2000, s13;
	v4 =	vld [tilespmem:s20+$0x0];
	v5 =	vshrl.u32 v0, $0x10  }
0x1b: {  	s13 =	sor.u32 s19, s21;
	v5 =	vand.u32 $0x1, v5  }
0x1c: {  	v6 =	vimm.f32 $0.0e+00;
	s22 =	simm.s32 $0x40;
	s23 =	simm.s32 $0x200;
	s24 =	sor.u32 s16, s21;
	v7 =	vshrl.u32 v1, $0x10;
	v0 =	vadd.s32 v5, v0;
	v5 =	vld [tilespmem:s13+$0x0]  }
0x1d: {  	s25 =	sand.u32 $0x40, s22;
	s17 =	sand.u32 $0x1C00, s23;
	s12 =	sor.u32 s14, s21;
	v9 =	vld [tilespmem:s24+$0x0];
	v8 =	vshrl.u32 v3, $0x10;
	v7 =	vand.u32 $0x1, v7;
	v0 =	vadd.s32 $0x7FFF, v0  }
0x1e: {  	s19 =	sor.u32 $0x10, s25;
	s26 =	sor.u32 s25, s17;
	v10 =	vshrl.u32 v2, $0x10;
	v1 =	vadd.s32 v7, v1;
	v7 =	vld [tilespmem:s12+$0x0];
	v0 =	vand.u32 $0xFFFF0000, v0  }
0x1f: {  	s20 =	sor.u32 $0x30, s25;
	s29 =	sor.u32 s19, s17;
	v11 =	vld [tilespmem:s26+$0x0];
	v10 =	vand.u32 $0x1, v10;
	v1 =	vadd.s32 $0x7FFF, v1;
	v4 =	vmul.f32 v0, v4  }
0x20: {  	s28 =	sor.u32 s20, s17;
	v8 =	vand.u32 $0x1, v8;
	v10 =	vadd.s32 v10, v2;
	v2 =	vld [tilespmem:s29+$0x0];
	v1 =	vand.u32 $0xFFFF0000, v1  }
0x21: {  	s16 =	sor.u32 $0x20, s25;
	v0 =	vld [tilespmem:s28+$0x0];
	v4 =	vadd.f32 v4, v6;
	v1 =	vmul.f32 v1, v5;
	v5 =	vadd.s32 $0x7FFF, v10  }
0x22: {  	s30 =	sor.u32 s16, s17;
	v3 =	vadd.s32 v8, v3;
	v5 =	vand.u32 $0xFFFF0000, v5  }
0x23: {  	s31 =	sand.u32 $0x380, s22;
	s12 =	simm.s32 $0x2040;
	v3 =	vadd.s32 $0x7FFF, v3;
	v4 =	vadd.f32 v1, v4;
	v5 =	vmul.f32 v5, v7;
	v1 =	vld [tilespmem:s30+$0x0]  }
0x24: {  	s18 =	sor.u32 $0x2000, s31;
	s15 =	simm.s32 $0x1000;
	v6 =	vshrl.u32 v11, $0x10;
	v7 =	vand.u32 $0xFFFF0000, v3;
	v3 =	vld [tilespmem:s12+$0x0]  }
0x25: {  	s21 =	sor.u32 s19, s18;
	s19 =	simm.s32 $0x400;
	s13 =	simm.s32 $0x80;
	v8 =	vand.u32 $0x1, v6;
	v7 =	vmul.f32 v7, v9;
	v6 =	vadd.f32 v5, v4  }
0x26: {  	s17 =	simm.s32 $0xC0;
	s20 =	sor.u32 s20, s18;
	s14 =	sand.u32 $0x40, s13;
	v8 =	vadd.s32 v8, v11;
	v9 =	vshrl.u32 v2, $0x10;
	v4 =	vld [tilespmem:s21+$0x0];
	v5 =	vshrl.u32 v0, $0x10  }
.LBB2_3:
0x27: {  	p0 =	sne.s32 s17, $0x3C0;
	s19 =	sand.u32 $0x1C00, s19;
	v8 =	vadd.s32 $0x7FFF, v8;
	v9 =	vand.u32 $0x1, v9;
	s16 =	sor.u32 s16, s18;
	v10 =	vld [tilespmem:s20+$0x0];
	v6 =	vadd.f32 v7, v6  }
0x28: {  	s20 =	sor.u32 $0x30, s14;
	s18 =	sor.u32 s14, s19;
	v7 =	vand.u32 $0xFFFF0000, v8;
	v2 =	vadd.s32 v9, v2;
	v8 =	vld [tilespmem:s16+$0x0];
	v9 =	vshrl.u32 v1, $0x10  }
0x29: {  	s21 =	sor.u32 $0x10, s14;
	s16 =	sor.u32 s20, s19;
	v11 =	vld [tilespmem:s18+$0x0];
	v3 =	vmul.f32 v7, v3;
	v2 =	vadd.s32 $0x7FFF, v2;
	v7 =	vand.u32 $0x1, v9  }
0x2a: {  	v5 =	vand.u32 $0x1, v5;
	s18 =	sor.u32 s21, s19;
	v9 =	vld [tilespmem:s16+$0x0];
	v12 =	vand.u32 $0xFFFF0000, v2;
	v1 =	vadd.s32 v7, v1  }
0x2b: {  	s16 =	sor.u32 $0x20, s14;
	v2 =	vld [tilespmem:s18+$0x0];
	v3 =	vadd.f32 v3, v6;
	v4 =	vmul.f32 v12, v4;
	v1 =	vadd.s32 $0x7FFF, v1  }
.Ltmp0:
0x2c: {  	v0 =	vadd.s32 v5, v0;
	s14 =	sor.u32 s16, s19;
	v6 =	vand.u32 $0xFFFF0000, v1;
	(pc) =	sbr.rel @p0 .LBB2_3-.Ltmp0, $4  }
0x2d: {  	s12 =	sadd.s32 $0x40, s12;
	v13 =	vadd.s32 $0x7FFF, v0;
	s18 =	sand.u32 $0x380, s13;
	s13 =	smov.u32 s17;
	v1 =	vld [tilespmem:s14+$0x0];
	v4 =	vadd.f32 v4, v3;
	v5 =	vmul.f32 v6, v8  }
0x2e: {  	v12 =	vand.u32 $0xFFFF0000, v13;
	s18 =	sor.u32 $0x2000, s18;
	v3 =	vld [tilespmem:s12+$0x0];
	v6 =	vshrl.u32 v11, $0x10  }
0x2f: {  	s15 =	sadd.s32 $0x800, s15;
	v7 =	vmul.f32 v12, v10;
	s14 =	sand.u32 $0x40, s17;
	s21 =	sor.u32 s21, s18;
	v8 =	vand.u32 $0x1, v6;
	v6 =	vadd.f32 v5, v4;
	v0 =	vmovc v9  }
0x30: {  	s19 =	sshrl.u32 s15, $0x2;
	s17 =	sadd.s32 $0x40, s17;
	s20 =	sor.u32 s20, s18;
	v8 =	vadd.s32 v8, v11;
	v4 =	vld [tilespmem:s21+$0x0];
	v9 =	vshrl.u32 v2, $0x10;
	v5 =	vshrl.u32 v0, $0x10  }
0x31: {  	s15 =	sand.u32 $0x1C00, s19;
	v8 =	vadd.s32 $0x7FFF, v8;
	v9 =	vand.u32 $0x1, v9;
	s16 =	sor.u32 s16, s18;
	v10 =	vld [tilespmem:s20+$0x0];
	v6 =	vadd.f32 v7, v6  }
0x32: {  	s29 =	sor.u32 $0x30, s14;
	s17 =	sor.u32 s14, s15;
	v7 =	vand.u32 $0xFFFF0000, v8;
	v2 =	vadd.s32 v9, v2;
	v8 =	vld [tilespmem:s16+$0x0];
	v9 =	vshrl.u32 v1, $0x10  }
0x33: {  	s30 =	sor.u32 $0x10, s14;
	s31 =	sor.u32 s29, s15;
	v11 =	vld [tilespmem:s17+$0x0];
	v3 =	vmul.f32 v7, v3;
	v2 =	vadd.s32 $0x7FFF, v2;
	v7 =	vand.u32 $0x1, v9  }
0x34: {  	v5 =	vand.u32 $0x1, v5;
	s19 =	sor.u32 s30, s15;
	v9 =	vld [tilespmem:s31+$0x0];
	v2 =	vand.u32 $0xFFFF0000, v2;
	v1 =	vadd.s32 v7, v1  }
0x35: {  	s17 =	sor.u32 $0x20, s14;
	v7 =	vld [tilespmem:s19+$0x0];
	v3 =	vadd.f32 v3, v6;
	v2 =	vmul.f32 v2, v4;
	v1 =	vadd.s32 $0x7FFF, v1  }
0x36: {  	v0 =	vadd.s32 v5, v0;
	s15 =	sor.u32 s17, s15;
	v1 =	vand.u32 $0xFFFF0000, v1  }
0x37: {  	s13 =	sand.u32 $0x380, s13;
	s12 =	sadd.s32 $0x40, s12;
	v0 =	vadd.s32 $0x7FFF, v0;
	v4 =	vld [tilespmem:s15+$0x0];
	v2 =	vadd.f32 v2, v3;
	v1 =	vmul.f32 v1, v8  }
0x38: {  	s19 =	sor.u32 $0x2000, s13;
	v0 =	vand.u32 $0xFFFF0000, v0;
	v3 =	vld [tilespmem:s12+$0x0];
	v5 =	vshrl.u32 v11, $0x10  }
0x39: {  	s13 =	sor.u32 s30, s19;
	v0 =	vmul.f32 v0, v10;
	v5 =	vand.u32 $0x1, v5;
	v1 =	vadd.f32 v1, v2  }
0x3a: {  	v8 =	vshrl.u32 v9, $0x10;
	v6 =	vshrl.u32 v7, $0x10;
	v2 =	vadd.s32 v5, v11;
	v5 =	vld [tilespmem:s13+$0x0]  }
0x3b: {  	s20 =	sor.u32 s17, s19;
	v6 =	vand.u32 $0x1, v6;
	v2 =	vadd.s32 $0x7FFF, v2;
	v0 =	vadd.f32 v0, v1  }
0x3c: {  	v1 =	vand.u32 $0xFFFF0000, v2;
	v2 =	vadd.s32 v6, v7;
	v6 =	vld [tilespmem:s20+$0x0];
	v7 =	vshrl.u32 v4, $0x10  }
0x3d: {  	s12 =	sor.u32 s29, s19;
	v1 =	vmul.f32 v1, v3;
	v2 =	vadd.s32 $0x7FFF, v2;
	v3 =	vand.u32 $0x1, v7  }
0x3e: {  	v7 =	vld [tilespmem:s12+$0x0];
	v2 =	vand.u32 $0xFFFF0000, v2;
	v3 =	vadd.s32 v3, v4;
	v4 =	vand.u32 $0x1, v8  }
0x3f: {  	v0 =	vadd.f32 v1, v0;
	v1 =	vmul.f32 v2, v5;
	v2 =	vadd.s32 $0x7FFF, v3  }
0x40: {  	v3 =	vadd.s32 v4, v9;
	v2 =	vand.u32 $0xFFFF0000, v2  }
0x41: {  	v0 =	vadd.f32 v1, v0;
	v1 =	vmul.f32 v2, v6;
	v2 =	vadd.s32 $0x7FFF, v3  }
0x42: {  	v2 =	vand.u32 $0xFFFF0000, v2  }
0x43: {  	v0 =	vadd.f32 v1, v0;
	v1 =	vmul.f32 v2, v7;
	_ =	sdelay $0x1  }
0x44: {  	s21 =	sshll.u32 s11, $0x7;
	s22 =	simm.s32 $0x0;
	s23 =	simm.s32 $0x0;
	v0 =	vadd.f32 v1, v0  }
0x45: {  	s24 =	sand.u32 $0x40, s22;
	s14 =	sand.u32 $0x1C00, s23;
	s12 =	sand.u32 $0x3FFFFF80, s21  }
0x46: {  	s25 =	sor.u32 s24, s14;
	[tilespmem:s12+$0x2400] =	vst v0  }
0x47: {  	s26 =	sor.u32 $0x10, s24;
	v0 =	vld [tilespmem:s25+$0x80]  }
0x48: {  	s28 =	sor.u32 $0x30, s24;
	s29 =	sor.u32 s26, s14  }
0x49: {  	s30 =	sor.u32 s28, s14;
	s15 =	sor.u32 $0x20, s24;
	v1 =	vld [tilespmem:s29+$0x80]  }
0x4a: {  	s14 =	sor.u32 s15, s14;
	v3 =	vld [tilespmem:s30+$0x80]  }
0x4b: {  	s31 =	simm.s32 $0x2000;
	s13 =	sand.u32 $0x380, s22;
	v2 =	vld [tilespmem:s14+$0x80]  }
0x4c: {  	s13 =	sor.u32 $0x2000, s13;
	v4 =	vld [tilespmem:s31+$0x0];
	v5 =	vshrl.u32 v0, $0x10  }
0x4d: {  	s19 =	sor.u32 s26, s13;
	v5 =	vand.u32 $0x1, v5  }
0x4e: {  	s22 =	simm.s32 $0x200;
	s20 =	simm.s32 $0x40;
	s23 =	sor.u32 s28, s13;
	v6 =	vimm.f32 $0.0e+00;
	v7 =	vshrl.u32 v1, $0x10;
	v0 =	vadd.s32 v5, v0;
	v5 =	vld [tilespmem:s19+$0x0]  }
0x4f: {  	s18 =	sand.u32 $0x1C00, s22;
	s13 =	sor.u32 s15, s13;
	s24 =	sand.u32 $0x40, s20;
	v9 =	vld [tilespmem:s23+$0x0];
	v8 =	vshrl.u32 v3, $0x10;
	v7 =	vand.u32 $0x1, v7;
	v0 =	vadd.s32 $0x7FFF, v0  }
0x50: {  	s26 =	sor.u32 $0x10, s24;
	s25 =	sor.u32 s24, s18;
	v10 =	vshrl.u32 v2, $0x10;
	v1 =	vadd.s32 v7, v1;
	v7 =	vld [tilespmem:s13+$0x0];
	v0 =	vand.u32 $0xFFFF0000, v0  }
0x51: {  	s21 =	sor.u32 $0x30, s24;
	s29 =	sor.u32 s26, s18;
	v11 =	vld [tilespmem:s25+$0x80];
	v10 =	vand.u32 $0x1, v10;
	v1 =	vadd.s32 $0x7FFF, v1;
	v4 =	vmul.f32 v0, v4  }
0x52: {  	s28 =	sor.u32 s21, s18;
	v8 =	vand.u32 $0x1, v8;
	v10 =	vadd.s32 v10, v2;
	v2 =	vld [tilespmem:s29+$0x80];
	v1 =	vand.u32 $0xFFFF0000, v1  }
0x53: {  	s17 =	sor.u32 $0x20, s24;
	v0 =	vld [tilespmem:s28+$0x80];
	v4 =	vadd.f32 v4, v6;
	v1 =	vmul.f32 v1, v5;
	v5 =	vadd.s32 $0x7FFF, v10  }
0x54: {  	s30 =	sor.u32 s17, s18;
	v3 =	vadd.s32 v8, v3;
	v5 =	vand.u32 $0xFFFF0000, v5  }
0x55: {  	s31 =	sand.u32 $0x380, s20;
	s13 =	simm.s32 $0x2040;
	v3 =	vadd.s32 $0x7FFF, v3;
	v4 =	vadd.f32 v1, v4;
	v5 =	vmul.f32 v5, v7;
	v1 =	vld [tilespmem:s30+$0x80]  }
0x56: {  	s16 =	simm.s32 $0x1000;
	s19 =	sor.u32 $0x2000, s31;
	v6 =	vshrl.u32 v11, $0x10;
	v7 =	vand.u32 $0xFFFF0000, v3;
	v3 =	vld [tilespmem:s13+$0x0]  }
0x57: {  	s14 =	simm.s32 $0x80;
	s20 =	simm.s32 $0x400;
	s22 =	sor.u32 s26, s19;
	v8 =	vand.u32 $0x1, v6;
	v7 =	vmul.f32 v7, v9;
	v6 =	vadd.f32 v5, v4  }
0x58: {  	s18 =	simm.s32 $0xC0;
	s15 =	sand.u32 $0x40, s14;
	s21 =	sor.u32 s21, s19;
	v8 =	vadd.s32 v8, v11;
	v9 =	vshrl.u32 v2, $0x10;
	v4 =	vld [tilespmem:s22+$0x0];
	v5 =	vshrl.u32 v0, $0x10  }
.LBB2_5:
0x59: {  	p0 =	sne.s32 s18, $0x3C0;
	s20 =	sand.u32 $0x1C00, s20;
	v8 =	vadd.s32 $0x7FFF, v8;
	v9 =	vand.u32 $0x1, v9;
	s17 =	sor.u32 s17, s19;
	v10 =	vld [tilespmem:s21+$0x0];
	v6 =	vadd.f32 v7, v6  }
0x5a: {  	s21 =	sor.u32 $0x30, s15;
	s19 =	sor.u32 s15, s20;
	v7 =	vand.u32 $0xFFFF0000, v8;
	v2 =	vadd.s32 v9, v2;
	v8 =	vld [tilespmem:s17+$0x0];
	v9 =	vshrl.u32 v1, $0x10  }
0x5b: {  	s22 =	sor.u32 $0x10, s15;
	s17 =	sor.u32 s21, s20;
	v11 =	vld [tilespmem:s19+$0x80];
	v3 =	vmul.f32 v7, v3;
	v2 =	vadd.s32 $0x7FFF, v2;
	v7 =	vand.u32 $0x1, v9  }
0x5c: {  	v5 =	vand.u32 $0x1, v5;
	s19 =	sor.u32 s22, s20;
	v9 =	vld [tilespmem:s17+$0x80];
	v12 =	vand.u32 $0xFFFF0000, v2;
	v1 =	vadd.s32 v7, v1  }
0x5d: {  	s17 =	sor.u32 $0x20, s15;
	v2 =	vld [tilespmem:s19+$0x80];
	v3 =	vadd.f32 v3, v6;
	v4 =	vmul.f32 v12, v4;
	v1 =	vadd.s32 $0x7FFF, v1  }
.Ltmp1:
0x5e: {  	v0 =	vadd.s32 v5, v0;
	s15 =	sor.u32 s17, s20;
	v6 =	vand.u32 $0xFFFF0000, v1;
	(pc) =	sbr.rel @p0 .LBB2_5-.Ltmp1, $4  }
0x5f: {  	s13 =	sadd.s32 $0x40, s13;
	v13 =	vadd.s32 $0x7FFF, v0;
	s19 =	sand.u32 $0x380, s14;
	s14 =	smov.u32 s18;
	v1 =	vld [tilespmem:s15+$0x80];
	v4 =	vadd.f32 v4, v3;
	v5 =	vmul.f32 v6, v8  }
0x60: {  	v12 =	vand.u32 $0xFFFF0000, v13;
	s19 =	sor.u32 $0x2000, s19;
	v3 =	vld [tilespmem:s13+$0x0];
	v6 =	vshrl.u32 v11, $0x10  }
0x61: {  	s16 =	sadd.s32 $0x800, s16;
	v7 =	vmul.f32 v12, v10;
	s15 =	sand.u32 $0x40, s18;
	s22 =	sor.u32 s22, s19;
	v8 =	vand.u32 $0x1, v6;
	v6 =	vadd.f32 v5, v4;
	v0 =	vmovc v9  }
0x62: {  	s20 =	sshrl.u32 s16, $0x2;
	s18 =	sadd.s32 $0x40, s18;
	s21 =	sor.u32 s21, s19;
	v8 =	vadd.s32 v8, v11;
	v4 =	vld [tilespmem:s22+$0x0];
	v9 =	vshrl.u32 v2, $0x10;
	v5 =	vshrl.u32 v0, $0x10  }
0x63: {  	s16 =	sand.u32 $0x1C00, s20;
	v8 =	vadd.s32 $0x7FFF, v8;
	v9 =	vand.u32 $0x1, v9;
	s17 =	sor.u32 s17, s19;
	v10 =	vld [tilespmem:s21+$0x0];
	v6 =	vadd.f32 v7, v6  }
0x64: {  	s29 =	sor.u32 $0x30, s15;
	s18 =	sor.u32 s15, s16;
	v7 =	vand.u32 $0xFFFF0000, v8;
	v2 =	vadd.s32 v9, v2;
	v8 =	vld [tilespmem:s17+$0x0];
	v9 =	vshrl.u32 v1, $0x10  }
0x65: {  	s30 =	sor.u32 $0x10, s15;
	s31 =	sor.u32 s29, s16;
	v11 =	vld [tilespmem:s18+$0x80];
	v3 =	vmul.f32 v7, v3;
	v2 =	vadd.s32 $0x7FFF, v2;
	v7 =	vand.u32 $0x1, v9  }
0x66: {  	v5 =	vand.u32 $0x1, v5;
	s20 =	sor.u32 s30, s16;
	v9 =	vld [tilespmem:s31+$0x80];
	v2 =	vand.u32 $0xFFFF0000, v2;
	v1 =	vadd.s32 v7, v1  }
0x67: {  	s18 =	sor.u32 $0x20, s15;
	v7 =	vld [tilespmem:s20+$0x80];
	v3 =	vadd.f32 v3, v6;
	v2 =	vmul.f32 v2, v4;
	v1 =	vadd.s32 $0x7FFF, v1  }
0x68: {  	v0 =	vadd.s32 v5, v0;
	s16 =	sor.u32 s18, s16;
	v1 =	vand.u32 $0xFFFF0000, v1  }
0x69: {  	s14 =	sand.u32 $0x380, s14;
	s13 =	sadd.s32 $0x40, s13;
	v0 =	vadd.s32 $0x7FFF, v0;
	v4 =	vld [tilespmem:s16+$0x80];
	v2 =	vadd.f32 v2, v3;
	v1 =	vmul.f32 v1, v8  }
0x6a: {  	s20 =	sor.u32 $0x2000, s14;
	v0 =	vand.u32 $0xFFFF0000, v0;
	v3 =	vld [tilespmem:s13+$0x0];
	v5 =	vshrl.u32 v11, $0x10  }
0x6b: {  	s14 =	sor.u32 s30, s20;
	v0 =	vmul.f32 v0, v10;
	v5 =	vand.u32 $0x1, v5;
	v1 =	vadd.f32 v1, v2  }
0x6c: {  	v8 =	vshrl.u32 v9, $0x10;
	v6 =	vshrl.u32 v7, $0x10;
	v2 =	vadd.s32 v5, v11;
	v5 =	vld [tilespmem:s14+$0x0]  }
0x6d: {  	s21 =	sor.u32 s18, s20;
	v6 =	vand.u32 $0x1, v6;
	v2 =	vadd.s32 $0x7FFF, v2;
	v0 =	vadd.f32 v0, v1  }
0x6e: {  	v1 =	vand.u32 $0xFFFF0000, v2;
	v2 =	vadd.s32 v6, v7;
	v6 =	vld [tilespmem:s21+$0x0];
	v7 =	vshrl.u32 v4, $0x10  }
0x6f: {  	s13 =	sor.u32 s29, s20;
	v1 =	vmul.f32 v1, v3;
	v2 =	vadd.s32 $0x7FFF, v2;
	v3 =	vand.u32 $0x1, v7  }
0x70: {  	v7 =	vld [tilespmem:s13+$0x0];
	v2 =	vand.u32 $0xFFFF0000, v2;
	v3 =	vadd.s32 v3, v4;
	v4 =	vand.u32 $0x1, v8  }
0x71: {  	v0 =	vadd.f32 v1, v0;
	v1 =	vmul.f32 v2, v5;
	v2 =	vadd.s32 $0x7FFF, v3  }
0x72: {  	v3 =	vadd.s32 v4, v9;
	v2 =	vand.u32 $0xFFFF0000, v2  }
0x73: {  	v0 =	vadd.f32 v1, v0;
	v1 =	vmul.f32 v2, v6;
	v2 =	vadd.s32 $0x7FFF, v3  }
0x74: {  	v2 =	vand.u32 $0xFFFF0000, v2  }
0x75: {  	v0 =	vadd.f32 v1, v0;
	v1 =	vmul.f32 v2, v7;
	_ =	sdelay $0x1  }
0x76: {  	s22 =	simm.s32 $0x0;
	s23 =	simm.s32 $0x0;
	v0 =	vadd.f32 v1, v0  }
0x77: {  	s24 =	sand.u32 $0x40, s22;
	s14 =	sand.u32 $0x1C00, s23  }
0x78: {  	s25 =	sor.u32 s24, s14;
	[tilespmem:s12+$0x2410] =	vst v0  }
0x79: {  	s26 =	sor.u32 $0x10, s24;
	v0 =	vld [tilespmem:s25+$0x100]  }
0x7a: {  	s28 =	sor.u32 $0x30, s24;
	s29 =	sor.u32 s26, s14  }
0x7b: {  	s15 =	sor.u32 $0x20, s24;
	s30 =	sor.u32 s28, s14;
	v1 =	vld [tilespmem:s29+$0x100]  }
0x7c: {  	s14 =	sor.u32 s15, s14;
	v3 =	vld [tilespmem:s30+$0x100]  }
0x7d: {  	s31 =	simm.s32 $0x2000;
	s13 =	sand.u32 $0x380, s22;
	v2 =	vld [tilespmem:s14+$0x100]  }
0x7e: {  	s13 =	sor.u32 $0x2000, s13;
	v4 =	vld [tilespmem:s31+$0x0];
	v5 =	vshrl.u32 v0, $0x10  }
0x7f: {  	s19 =	sor.u32 s26, s13;
	v5 =	vand.u32 $0x1, v5  }
0x80: {  	s20 =	simm.s32 $0x40;
	s21 =	simm.s32 $0x200;
	s22 =	sor.u32 s28, s13;
	v6 =	vimm.f32 $0.0e+00;
	v7 =	vshrl.u32 v1, $0x10;
	v0 =	vadd.s32 v5, v0;
	v5 =	vld [tilespmem:s19+$0x0]  }
0x81: {  	s23 =	sand.u32 $0x40, s20;
	s18 =	sand.u32 $0x1C00, s21;
	s13 =	sor.u32 s15, s13;
	v9 =	vld [tilespmem:s22+$0x0];
	v8 =	vshrl.u32 v3, $0x10;
	v7 =	vand.u32 $0x1, v7;
	v0 =	vadd.s32 $0x7FFF, v0  }
0x82: {  	s24 =	sor.u32 s23, s18;
	s26 =	sor.u32 $0x10, s23;
	v10 =	vshrl.u32 v2, $0x10;
	v1 =	vadd.s32 v7, v1;
	v7 =	vld [tilespmem:s13+$0x0];
	v0 =	vand.u32 $0xFFFF0000, v0  }
0x83: {  	s25 =	sor.u32 $0x30, s23;
	v11 =	vld [tilespmem:s24+$0x100];
	s29 =	sor.u32 s26, s18;
	v10 =	vand.u32 $0x1, v10;
	v1 =	vadd.s32 $0x7FFF, v1;
	v4 =	vmul.f32 v0, v4  }
0x84: {  	s28 =	sor.u32 s25, s18;
	v8 =	vand.u32 $0x1, v8;
	v10 =	vadd.s32 v10, v2;
	v2 =	vld [tilespmem:s29+$0x100];
	v1 =	vand.u32 $0xFFFF0000, v1  }
0x85: {  	s17 =	sor.u32 $0x20, s23;
	v0 =	vld [tilespmem:s28+$0x100];
	v4 =	vadd.f32 v4, v6;
	v1 =	vmul.f32 v1, v5;
	v5 =	vadd.s32 $0x7FFF, v10  }
0x86: {  	s30 =	sor.u32 s17, s18;
	v3 =	vadd.s32 v8, v3;
	v5 =	vand.u32 $0xFFFF0000, v5  }
0x87: {  	s31 =	sand.u32 $0x380, s20;
	s13 =	simm.s32 $0x2040;
	v3 =	vadd.s32 $0x7FFF, v3;
	v4 =	vadd.f32 v1, v4;
	v5 =	vmul.f32 v5, v7;
	v1 =	vld [tilespmem:s30+$0x100]  }
0x88: {  	s16 =	simm.s32 $0x1000;
	s19 =	sor.u32 $0x2000, s31;
	v6 =	vshrl.u32 v11, $0x10;
	v7 =	vand.u32 $0xFFFF0000, v3;
	v3 =	vld [tilespmem:s13+$0x0]  }
0x89: {  	s14 =	simm.s32 $0x80;
	s20 =	simm.s32 $0x400;
	s22 =	sor.u32 s26, s19;
	v8 =	vand.u32 $0x1, v6;
	v7 =	vmul.f32 v7, v9;
	v6 =	vadd.f32 v5, v4  }
0x8a: {  	s15 =	sand.u32 $0x40, s14;
	s18 =	simm.s32 $0xC0;
	s21 =	sor.u32 s25, s19;
	v8 =	vadd.s32 v8, v11;
	v9 =	vshrl.u32 v2, $0x10;
	v4 =	vld [tilespmem:s22+$0x0];
	v5 =	vshrl.u32 v0, $0x10  }
.LBB2_7:
0x8b: {  	p0 =	sne.s32 s18, $0x3C0;
	s20 =	sand.u32 $0x1C00, s20;
	v8 =	vadd.s32 $0x7FFF, v8;
	v9 =	vand.u32 $0x1, v9;
	s17 =	sor.u32 s17, s19;
	v10 =	vld [tilespmem:s21+$0x0];
	v6 =	vadd.f32 v7, v6  }
0x8c: {  	s21 =	sor.u32 $0x30, s15;
	s19 =	sor.u32 s15, s20;
	v7 =	vand.u32 $0xFFFF0000, v8;
	v2 =	vadd.s32 v9, v2;
	v8 =	vld [tilespmem:s17+$0x0];
	v9 =	vshrl.u32 v1, $0x10  }
0x8d: {  	s22 =	sor.u32 $0x10, s15;
	s17 =	sor.u32 s21, s20;
	v11 =	vld [tilespmem:s19+$0x100];
	v3 =	vmul.f32 v7, v3;
	v2 =	vadd.s32 $0x7FFF, v2;
	v7 =	vand.u32 $0x1, v9  }
0x8e: {  	v5 =	vand.u32 $0x1, v5;
	s19 =	sor.u32 s22, s20;
	v9 =	vld [tilespmem:s17+$0x100];
	v12 =	vand.u32 $0xFFFF0000, v2;
	v1 =	vadd.s32 v7, v1  }
0x8f: {  	s17 =	sor.u32 $0x20, s15;
	v2 =	vld [tilespmem:s19+$0x100];
	v3 =	vadd.f32 v3, v6;
	v4 =	vmul.f32 v12, v4;
	v1 =	vadd.s32 $0x7FFF, v1  }
.Ltmp2:
0x90: {  	v0 =	vadd.s32 v5, v0;
	s15 =	sor.u32 s17, s20;
	v6 =	vand.u32 $0xFFFF0000, v1;
	(pc) =	sbr.rel @p0 .LBB2_7-.Ltmp2, $4  }
0x91: {  	s13 =	sadd.s32 $0x40, s13;
	v13 =	vadd.s32 $0x7FFF, v0;
	s19 =	sand.u32 $0x380, s14;
	s14 =	smov.u32 s18;
	v1 =	vld [tilespmem:s15+$0x100];
	v4 =	vadd.f32 v4, v3;
	v5 =	vmul.f32 v6, v8  }
0x92: {  	v12 =	vand.u32 $0xFFFF0000, v13;
	s19 =	sor.u32 $0x2000, s19;
	v3 =	vld [tilespmem:s13+$0x0];
	v6 =	vshrl.u32 v11, $0x10  }
0x93: {  	s16 =	sadd.s32 $0x800, s16;
	v7 =	vmul.f32 v12, v10;
	s15 =	sand.u32 $0x40, s18;
	s22 =	sor.u32 s22, s19;
	v8 =	vand.u32 $0x1, v6;
	v6 =	vadd.f32 v5, v4;
	v0 =	vmovc v9  }
0x94: {  	s20 =	sshrl.u32 s16, $0x2;
	s18 =	sadd.s32 $0x40, s18;
	s21 =	sor.u32 s21, s19;
	v8 =	vadd.s32 v8, v11;
	v4 =	vld [tilespmem:s22+$0x0];
	v9 =	vshrl.u32 v2, $0x10;
	v5 =	vshrl.u32 v0, $0x10  }
0x95: {  	s16 =	sand.u32 $0x1C00, s20;
	v8 =	vadd.s32 $0x7FFF, v8;
	v9 =	vand.u32 $0x1, v9;
	s17 =	sor.u32 s17, s19;
	v10 =	vld [tilespmem:s21+$0x0];
	v6 =	vadd.f32 v7, v6  }
0x96: {  	s29 =	sor.u32 $0x30, s15;
	s18 =	sor.u32 s15, s16;
	v7 =	vand.u32 $0xFFFF0000, v8;
	v2 =	vadd.s32 v9, v2;
	v8 =	vld [tilespmem:s17+$0x0];
	v9 =	vshrl.u32 v1, $0x10  }
0x97: {  	s30 =	sor.u32 $0x10, s15;
	s31 =	sor.u32 s29, s16;
	v11 =	vld [tilespmem:s18+$0x100];
	v3 =	vmul.f32 v7, v3;
	v2 =	vadd.s32 $0x7FFF, v2;
	v7 =	vand.u32 $0x1, v9  }
0x98: {  	v5 =	vand.u32 $0x1, v5;
	s20 =	sor.u32 s30, s16;
	v9 =	vld [tilespmem:s31+$0x100];
	v2 =	vand.u32 $0xFFFF0000, v2;
	v1 =	vadd.s32 v7, v1  }
0x99: {  	s18 =	sor.u32 $0x20, s15;
	v7 =	vld [tilespmem:s20+$0x100];
	v3 =	vadd.f32 v3, v6;
	v2 =	vmul.f32 v2, v4;
	v1 =	vadd.s32 $0x7FFF, v1  }
0x9a: {  	v0 =	vadd.s32 v5, v0;
	s16 =	sor.u32 s18, s16;
	v1 =	vand.u32 $0xFFFF0000, v1  }
0x9b: {  	s14 =	sand.u32 $0x380, s14;
	s13 =	sadd.s32 $0x40, s13;
	v0 =	vadd.s32 $0x7FFF, v0;
	v4 =	vld [tilespmem:s16+$0x100];
	v2 =	vadd.f32 v2, v3;
	v1 =	vmul.f32 v1, v8  }
0x9c: {  	s20 =	sor.u32 $0x2000, s14;
	v0 =	vand.u32 $0xFFFF0000, v0;
	v3 =	vld [tilespmem:s13+$0x0];
	v5 =	vshrl.u32 v11, $0x10  }
0x9d: {  	s14 =	sor.u32 s30, s20;
	v0 =	vmul.f32 v0, v10;
	v5 =	vand.u32 $0x1, v5;
	v1 =	vadd.f32 v1, v2  }
0x9e: {  	v8 =	vshrl.u32 v9, $0x10;
	v6 =	vshrl.u32 v7, $0x10;
	v2 =	vadd.s32 v5, v11;
	v5 =	vld [tilespmem:s14+$0x0]  }
0x9f: {  	s21 =	sor.u32 s18, s20;
	v6 =	vand.u32 $0x1, v6;
	v2 =	vadd.s32 $0x7FFF, v2;
	v0 =	vadd.f32 v0, v1  }
0xa0: {  	v1 =	vand.u32 $0xFFFF0000, v2;
	v2 =	vadd.s32 v6, v7;
	v6 =	vld [tilespmem:s21+$0x0];
	v7 =	vshrl.u32 v4, $0x10  }
0xa1: {  	s13 =	sor.u32 s29, s20;
	v1 =	vmul.f32 v1, v3;
	v2 =	vadd.s32 $0x7FFF, v2;
	v3 =	vand.u32 $0x1, v7  }
0xa2: {  	v7 =	vld [tilespmem:s13+$0x0];
	v2 =	vand.u32 $0xFFFF0000, v2;
	v3 =	vadd.s32 v3, v4;
	v4 =	vand.u32 $0x1, v8  }
0xa3: {  	v0 =	vadd.f32 v1, v0;
	v1 =	vmul.f32 v2, v5;
	v2 =	vadd.s32 $0x7FFF, v3  }
0xa4: {  	v3 =	vadd.s32 v4, v9;
	v2 =	vand.u32 $0xFFFF0000, v2  }
0xa5: {  	v0 =	vadd.f32 v1, v0;
	v1 =	vmul.f32 v2, v6;
	v2 =	vadd.s32 $0x7FFF, v3  }
0xa6: {  	v2 =	vand.u32 $0xFFFF0000, v2  }
0xa7: {  	v0 =	vadd.f32 v1, v0;
	v1 =	vmul.f32 v2, v7;
	_ =	sdelay $0x1  }
0xa8: {  	s22 =	simm.s32 $0x0;
	s23 =	simm.s32 $0x0;
	v0 =	vadd.f32 v1, v0  }
0xa9: {  	s24 =	sand.u32 $0x40, s22;
	s14 =	sand.u32 $0x1C00, s23  }
0xaa: {  	s25 =	sor.u32 s24, s14;
	[tilespmem:s12+$0x2420] =	vst v0  }
0xab: {  	s26 =	sor.u32 $0x10, s24;
	v0 =	vld [tilespmem:s25+$0x180]  }
0xac: {  	s28 =	sor.u32 $0x30, s24;
	s29 =	sor.u32 s26, s14  }
0xad: {  	s15 =	sor.u32 $0x20, s24;
	s30 =	sor.u32 s28, s14;
	v1 =	vld [tilespmem:s29+$0x180]  }
0xae: {  	s14 =	sor.u32 s15, s14;
	v3 =	vld [tilespmem:s30+$0x180]  }
0xaf: {  	s31 =	simm.s32 $0x2000;
	s13 =	sand.u32 $0x380, s22;
	v2 =	vld [tilespmem:s14+$0x180]  }
0xb0: {  	s13 =	sor.u32 $0x2000, s13;
	v4 =	vld [tilespmem:s31+$0x0];
	v5 =	vshrl.u32 v0, $0x10  }
0xb1: {  	s19 =	sor.u32 s26, s13;
	v5 =	vand.u32 $0x1, v5  }
0xb2: {  	s20 =	simm.s32 $0x40;
	s21 =	simm.s32 $0x200;
	s22 =	sor.u32 s28, s13;
	v6 =	vimm.f32 $0.0e+00;
	v7 =	vshrl.u32 v1, $0x10;
	v0 =	vadd.s32 v5, v0;
	v5 =	vld [tilespmem:s19+$0x0]  }
0xb3: {  	s23 =	sand.u32 $0x40, s20;
	s18 =	sand.u32 $0x1C00, s21;
	s13 =	sor.u32 s15, s13;
	v9 =	vld [tilespmem:s22+$0x0];
	v8 =	vshrl.u32 v3, $0x10;
	v7 =	vand.u32 $0x1, v7;
	v0 =	vadd.s32 $0x7FFF, v0  }
0xb4: {  	s24 =	sor.u32 s23, s18;
	s26 =	sor.u32 $0x10, s23;
	v10 =	vshrl.u32 v2, $0x10;
	v1 =	vadd.s32 v7, v1;
	v7 =	vld [tilespmem:s13+$0x0];
	v0 =	vand.u32 $0xFFFF0000, v0  }
0xb5: {  	s25 =	sor.u32 $0x30, s23;
	v11 =	vld [tilespmem:s24+$0x180];
	s29 =	sor.u32 s26, s18;
	v10 =	vand.u32 $0x1, v10;
	v1 =	vadd.s32 $0x7FFF, v1;
	v4 =	vmul.f32 v0, v4  }
0xb6: {  	s28 =	sor.u32 s25, s18;
	v8 =	vand.u32 $0x1, v8;
	v10 =	vadd.s32 v10, v2;
	v2 =	vld [tilespmem:s29+$0x180];
	v1 =	vand.u32 $0xFFFF0000, v1  }
0xb7: {  	s17 =	sor.u32 $0x20, s23;
	v0 =	vld [tilespmem:s28+$0x180];
	v4 =	vadd.f32 v4, v6;
	v1 =	vmul.f32 v1, v5;
	v5 =	vadd.s32 $0x7FFF, v10  }
0xb8: {  	s30 =	sor.u32 s17, s18;
	v3 =	vadd.s32 v8, v3;
	v5 =	vand.u32 $0xFFFF0000, v5  }
0xb9: {  	s31 =	sand.u32 $0x380, s20;
	s13 =	simm.s32 $0x2040;
	v3 =	vadd.s32 $0x7FFF, v3;
	v4 =	vadd.f32 v1, v4;
	v5 =	vmul.f32 v5, v7;
	v1 =	vld [tilespmem:s30+$0x180]  }
0xba: {  	s16 =	simm.s32 $0x1000;
	s19 =	sor.u32 $0x2000, s31;
	v6 =	vshrl.u32 v11, $0x10;
	v7 =	vand.u32 $0xFFFF0000, v3;
	v3 =	vld [tilespmem:s13+$0x0]  }
0xbb: {  	s14 =	simm.s32 $0x80;
	s20 =	simm.s32 $0x400;
	s22 =	sor.u32 s26, s19;
	v8 =	vand.u32 $0x1, v6;
	v7 =	vmul.f32 v7, v9;
	v6 =	vadd.f32 v5, v4  }
0xbc: {  	s15 =	sand.u32 $0x40, s14;
	s18 =	simm.s32 $0xC0;
	s21 =	sor.u32 s25, s19;
	v8 =	vadd.s32 v8, v11;
	v9 =	vshrl.u32 v2, $0x10;
	v4 =	vld [tilespmem:s22+$0x0];
	v5 =	vshrl.u32 v0, $0x10  }
.LBB2_9:
0xbd: {  	p0 =	sne.s32 s18, $0x3C0;
	s20 =	sand.u32 $0x1C00, s20;
	v8 =	vadd.s32 $0x7FFF, v8;
	v9 =	vand.u32 $0x1, v9;
	s17 =	sor.u32 s17, s19;
	v10 =	vld [tilespmem:s21+$0x0];
	v6 =	vadd.f32 v7, v6  }
0xbe: {  	s21 =	sor.u32 $0x30, s15;
	s19 =	sor.u32 s15, s20;
	v7 =	vand.u32 $0xFFFF0000, v8;
	v2 =	vadd.s32 v9, v2;
	v8 =	vld [tilespmem:s17+$0x0];
	v9 =	vshrl.u32 v1, $0x10  }
0xbf: {  	s22 =	sor.u32 $0x10, s15;
	s17 =	sor.u32 s21, s20;
	v11 =	vld [tilespmem:s19+$0x180];
	v3 =	vmul.f32 v7, v3;
	v2 =	vadd.s32 $0x7FFF, v2;
	v7 =	vand.u32 $0x1, v9  }
0xc0: {  	v5 =	vand.u32 $0x1, v5;
	s19 =	sor.u32 s22, s20;
	v9 =	vld [tilespmem:s17+$0x180];
	v12 =	vand.u32 $0xFFFF0000, v2;
	v1 =	vadd.s32 v7, v1  }
0xc1: {  	s17 =	sor.u32 $0x20, s15;
	v2 =	vld [tilespmem:s19+$0x180];
	v3 =	vadd.f32 v3, v6;
	v4 =	vmul.f32 v12, v4;
	v1 =	vadd.s32 $0x7FFF, v1  }
.Ltmp3:
0xc2: {  	v0 =	vadd.s32 v5, v0;
	s15 =	sor.u32 s17, s20;
	v6 =	vand.u32 $0xFFFF0000, v1;
	(pc) =	sbr.rel @p0 .LBB2_9-.Ltmp3, $4  }
0xc3: {  	s13 =	sadd.s32 $0x40, s13;
	v13 =	vadd.s32 $0x7FFF, v0;
	s19 =	sand.u32 $0x380, s14;
	s14 =	smov.u32 s18;
	v1 =	vld [tilespmem:s15+$0x180];
	v4 =	vadd.f32 v4, v3;
	v5 =	vmul.f32 v6, v8  }
0xc4: {  	v12 =	vand.u32 $0xFFFF0000, v13;
	s19 =	sor.u32 $0x2000, s19;
	v3 =	vld [tilespmem:s13+$0x0];
	v6 =	vshrl.u32 v11, $0x10  }
0xc5: {  	s16 =	sadd.s32 $0x800, s16;
	v7 =	vmul.f32 v12, v10;
	s15 =	sand.u32 $0x40, s18;
	s22 =	sor.u32 s22, s19;
	v8 =	vand.u32 $0x1, v6;
	v6 =	vadd.f32 v5, v4;
	v0 =	vmovc v9  }
0xc6: {  	s20 =	sshrl.u32 s16, $0x2;
	s18 =	sadd.s32 $0x40, s18;
	s21 =	sor.u32 s21, s19;
	v8 =	vadd.s32 v8, v11;
	v4 =	vld [tilespmem:s22+$0x0];
	v9 =	vshrl.u32 v2, $0x10;
	v5 =	vshrl.u32 v0, $0x10  }
0xc7: {  	s16 =	sand.u32 $0x1C00, s20;
	v8 =	vadd.s32 $0x7FFF, v8;
	v9 =	vand.u32 $0x1, v9;
	s17 =	sor.u32 s17, s19;
	v10 =	vld [tilespmem:s21+$0x0];
	v6 =	vadd.f32 v7, v6  }
0xc8: {  	s29 =	sor.u32 $0x30, s15;
	s18 =	sor.u32 s15, s16;
	v7 =	vand.u32 $0xFFFF0000, v8;
	v2 =	vadd.s32 v9, v2;
	v8 =	vld [tilespmem:s17+$0x0];
	v9 =	vshrl.u32 v1, $0x10  }
0xc9: {  	s30 =	sor.u32 $0x10, s15;
	s31 =	sor.u32 s29, s16;
	v11 =	vld [tilespmem:s18+$0x180];
	v3 =	vmul.f32 v7, v3;
	v2 =	vadd.s32 $0x7FFF, v2;
	v7 =	vand.u32 $0x1, v9  }
0xca: {  	v5 =	vand.u32 $0x1, v5;
	s20 =	sor.u32 s30, s16;
	v9 =	vld [tilespmem:s31+$0x180];
	v2 =	vand.u32 $0xFFFF0000, v2;
	v1 =	vadd.s32 v7, v1  }
0xcb: {  	s18 =	sor.u32 $0x20, s15;
	v7 =	vld [tilespmem:s20+$0x180];
	v3 =	vadd.f32 v3, v6;
	v2 =	vmul.f32 v2, v4;
	v1 =	vadd.s32 $0x7FFF, v1  }
0xcc: {  	v0 =	vadd.s32 v5, v0;
	s16 =	sor.u32 s18, s16;
	v1 =	vand.u32 $0xFFFF0000, v1  }
0xcd: {  	s14 =	sand.u32 $0x380, s14;
	s13 =	sadd.s32 $0x40, s13;
	v0 =	vadd.s32 $0x7FFF, v0;
	v4 =	vld [tilespmem:s16+$0x180];
	v2 =	vadd.f32 v2, v3;
	v1 =	vmul.f32 v1, v8  }
0xce: {  	s20 =	sor.u32 $0x2000, s14;
	v0 =	vand.u32 $0xFFFF0000, v0;
	v3 =	vld [tilespmem:s13+$0x0];
	v5 =	vshrl.u32 v11, $0x10  }
0xcf: {  	s14 =	sor.u32 s30, s20;
	v0 =	vmul.f32 v0, v10;
	v5 =	vand.u32 $0x1, v5;
	v1 =	vadd.f32 v1, v2  }
0xd0: {  	v8 =	vshrl.u32 v9, $0x10;
	v6 =	vshrl.u32 v7, $0x10;
	v2 =	vadd.s32 v5, v11;
	v5 =	vld [tilespmem:s14+$0x0]  }
0xd1: {  	s21 =	sor.u32 s18, s20;
	v6 =	vand.u32 $0x1, v6;
	v2 =	vadd.s32 $0x7FFF, v2;
	v0 =	vadd.f32 v0, v1  }
0xd2: {  	v1 =	vand.u32 $0xFFFF0000, v2;
	v2 =	vadd.s32 v6, v7;
	v6 =	vld [tilespmem:s21+$0x0];
	v7 =	vshrl.u32 v4, $0x10  }
0xd3: {  	s13 =	sor.u32 s29, s20;
	v1 =	vmul.f32 v1, v3;
	v2 =	vadd.s32 $0x7FFF, v2;
	v3 =	vand.u32 $0x1, v7  }
0xd4: {  	v7 =	vld [tilespmem:s13+$0x0];
	v2 =	vand.u32 $0xFFFF0000, v2;
	v3 =	vadd.s32 v3, v4;
	v4 =	vand.u32 $0x1, v8  }
0xd5: {  	v0 =	vadd.f32 v1, v0;
	v1 =	vmul.f32 v2, v5;
	v2 =	vadd.s32 $0x7FFF, v3  }
0xd6: {  	v3 =	vadd.s32 v4, v9;
	v2 =	vand.u32 $0xFFFF0000, v2  }
0xd7: {  	v0 =	vadd.f32 v1, v0;
	v1 =	vmul.f32 v2, v6;
	v2 =	vadd.s32 $0x7FFF, v3  }
0xd8: {  	v2 =	vand.u32 $0xFFFF0000, v2  }
0xd9: {  	v0 =	vadd.f32 v1, v0;
	v1 =	vmul.f32 v2, v7;
	_ =	sdelay $0x1  }
0xda: {  	s22 =	simm.s32 $0x0;
	s23 =	simm.s32 $0x0;
	v0 =	vadd.f32 v1, v0  }
0xdb: {  	s24 =	sand.u32 $0x40, s22;
	s14 =	sand.u32 $0x1C00, s23  }
0xdc: {  	s25 =	sor.u32 s24, s14;
	[tilespmem:s12+$0x2430] =	vst v0  }
0xdd: {  	s26 =	sor.u32 $0x10, s24;
	v0 =	vld [tilespmem:s25+$0x200]  }
0xde: {  	s28 =	sor.u32 $0x30, s24;
	s29 =	sor.u32 s26, s14  }
0xdf: {  	s15 =	sor.u32 $0x20, s24;
	s30 =	sor.u32 s28, s14;
	v1 =	vld [tilespmem:s29+$0x200]  }
0xe0: {  	s14 =	sor.u32 s15, s14;
	v3 =	vld [tilespmem:s30+$0x200]  }
0xe1: {  	s31 =	simm.s32 $0x2000;
	s13 =	sand.u32 $0x380, s22;
	v2 =	vld [tilespmem:s14+$0x200]  }
0xe2: {  	s13 =	sor.u32 $0x2000, s13;
	v4 =	vld [tilespmem:s31+$0x0];
	v5 =	vshrl.u32 v0, $0x10  }
0xe3: {  	s19 =	sor.u32 s26, s13;
	v5 =	vand.u32 $0x1, v5  }
0xe4: {  	s20 =	simm.s32 $0x40;
	s21 =	simm.s32 $0x200;
	s22 =	sor.u32 s28, s13;
	v6 =	vimm.f32 $0.0e+00;
	v7 =	vshrl.u32 v1, $0x10;
	v0 =	vadd.s32 v5, v0;
	v5 =	vld [tilespmem:s19+$0x0]  }
0xe5: {  	s23 =	sand.u32 $0x40, s20;
	s18 =	sand.u32 $0x1C00, s21;
	s13 =	sor.u32 s15, s13;
	v9 =	vld [tilespmem:s22+$0x0];
	v8 =	vshrl.u32 v3, $0x10;
	v7 =	vand.u32 $0x1, v7;
	v0 =	vadd.s32 $0x7FFF, v0  }
0xe6: {  	s24 =	sor.u32 s23, s18;
	s26 =	sor.u32 $0x10, s23;
	v10 =	vshrl.u32 v2, $0x10;
	v1 =	vadd.s32 v7, v1;
	v7 =	vld [tilespmem:s13+$0x0];
	v0 =	vand.u32 $0xFFFF0000, v0  }
0xe7: {  	s25 =	sor.u32 $0x30, s23;
	v11 =	vld [tilespmem:s24+$0x200];
	s29 =	sor.u32 s26, s18;
	v10 =	vand.u32 $0x1, v10;
	v1 =	vadd.s32 $0x7FFF, v1;
	v4 =	vmul.f32 v0, v4  }
0xe8: {  	s28 =	sor.u32 s25, s18;
	v8 =	vand.u32 $0x1, v8;
	v10 =	vadd.s32 v10, v2;
	v2 =	vld [tilespmem:s29+$0x200];
	v1 =	vand.u32 $0xFFFF0000, v1  }
0xe9: {  	s17 =	sor.u32 $0x20, s23;
	v0 =	vld [tilespmem:s28+$0x200];
	v4 =	vadd.f32 v4, v6;
	v1 =	vmul.f32 v1, v5;
	v5 =	vadd.s32 $0x7FFF, v10  }
0xea: {  	s30 =	sor.u32 s17, s18;
	v3 =	vadd.s32 v8, v3;
	v5 =	vand.u32 $0xFFFF0000, v5  }
0xeb: {  	s31 =	sand.u32 $0x380, s20;
	s13 =	simm.s32 $0x2040;
	v3 =	vadd.s32 $0x7FFF, v3;
	v4 =	vadd.f32 v1, v4;
	v5 =	vmul.f32 v5, v7;
	v1 =	vld [tilespmem:s30+$0x200]  }
0xec: {  	s16 =	simm.s32 $0x1000;
	s19 =	sor.u32 $0x2000, s31;
	v6 =	vshrl.u32 v11, $0x10;
	v7 =	vand.u32 $0xFFFF0000, v3;
	v3 =	vld [tilespmem:s13+$0x0]  }
0xed: {  	s14 =	simm.s32 $0x80;
	s20 =	simm.s32 $0x400;
	s22 =	sor.u32 s26, s19;
	v8 =	vand.u32 $0x1, v6;
	v7 =	vmul.f32 v7, v9;
	v6 =	vadd.f32 v5, v4  }
0xee: {  	s15 =	sand.u32 $0x40, s14;
	s18 =	simm.s32 $0xC0;
	s21 =	sor.u32 s25, s19;
	v8 =	vadd.s32 v8, v11;
	v9 =	vshrl.u32 v2, $0x10;
	v4 =	vld [tilespmem:s22+$0x0];
	v5 =	vshrl.u32 v0, $0x10  }
.LBB2_11:
0xef: {  	p0 =	sne.s32 s18, $0x3C0;
	s20 =	sand.u32 $0x1C00, s20;
	v8 =	vadd.s32 $0x7FFF, v8;
	v9 =	vand.u32 $0x1, v9;
	s17 =	sor.u32 s17, s19;
	v10 =	vld [tilespmem:s21+$0x0];
	v6 =	vadd.f32 v7, v6  }
0xf0: {  	s21 =	sor.u32 $0x30, s15;
	s19 =	sor.u32 s15, s20;
	v7 =	vand.u32 $0xFFFF0000, v8;
	v2 =	vadd.s32 v9, v2;
	v8 =	vld [tilespmem:s17+$0x0];
	v9 =	vshrl.u32 v1, $0x10  }
0xf1: {  	s22 =	sor.u32 $0x10, s15;
	s17 =	sor.u32 s21, s20;
	v11 =	vld [tilespmem:s19+$0x200];
	v3 =	vmul.f32 v7, v3;
	v2 =	vadd.s32 $0x7FFF, v2;
	v7 =	vand.u32 $0x1, v9  }
0xf2: {  	v5 =	vand.u32 $0x1, v5;
	s19 =	sor.u32 s22, s20;
	v9 =	vld [tilespmem:s17+$0x200];
	v12 =	vand.u32 $0xFFFF0000, v2;
	v1 =	vadd.s32 v7, v1  }
0xf3: {  	s17 =	sor.u32 $0x20, s15;
	v2 =	vld [tilespmem:s19+$0x200];
	v3 =	vadd.f32 v3, v6;
	v4 =	vmul.f32 v12, v4;
	v1 =	vadd.s32 $0x7FFF, v1  }
.Ltmp4:
0xf4: {  	v0 =	vadd.s32 v5, v0;
	s15 =	sor.u32 s17, s20;
	v6 =	vand.u32 $0xFFFF0000, v1;
	(pc) =	sbr.rel @p0 .LBB2_11-.Ltmp4, $4  }
0xf5: {  	s13 =	sadd.s32 $0x40, s13;
	v13 =	vadd.s32 $0x7FFF, v0;
	s19 =	sand.u32 $0x380, s14;
	s14 =	smov.u32 s18;
	v1 =	vld [tilespmem:s15+$0x200];
	v4 =	vadd.f32 v4, v3;
	v5 =	vmul.f32 v6, v8  }
0xf6: {  	v12 =	vand.u32 $0xFFFF0000, v13;
	s19 =	sor.u32 $0x2000, s19;
	v3 =	vld [tilespmem:s13+$0x0];
	v6 =	vshrl.u32 v11, $0x10  }
0xf7: {  	s16 =	sadd.s32 $0x800, s16;
	v7 =	vmul.f32 v12, v10;
	s15 =	sand.u32 $0x40, s18;
	s22 =	sor.u32 s22, s19;
	v8 =	vand.u32 $0x1, v6;
	v6 =	vadd.f32 v5, v4;
	v0 =	vmovc v9  }
0xf8: {  	s20 =	sshrl.u32 s16, $0x2;
	s18 =	sadd.s32 $0x40, s18;
	s21 =	sor.u32 s21, s19;
	v8 =	vadd.s32 v8, v11;
	v4 =	vld [tilespmem:s22+$0x0];
	v9 =	vshrl.u32 v2, $0x10;
	v5 =	vshrl.u32 v0, $0x10  }
0xf9: {  	s16 =	sand.u32 $0x1C00, s20;
	v8 =	vadd.s32 $0x7FFF, v8;
	v9 =	vand.u32 $0x1, v9;
	s17 =	sor.u32 s17, s19;
	v10 =	vld [tilespmem:s21+$0x0];
	v6 =	vadd.f32 v7, v6  }
0xfa: {  	s29 =	sor.u32 $0x30, s15;
	s18 =	sor.u32 s15, s16;
	v7 =	vand.u32 $0xFFFF0000, v8;
	v2 =	vadd.s32 v9, v2;
	v8 =	vld [tilespmem:s17+$0x0];
	v9 =	vshrl.u32 v1, $0x10  }
0xfb: {  	s30 =	sor.u32 $0x10, s15;
	s31 =	sor.u32 s29, s16;
	v11 =	vld [tilespmem:s18+$0x200];
	v3 =	vmul.f32 v7, v3;
	v2 =	vadd.s32 $0x7FFF, v2;
	v7 =	vand.u32 $0x1, v9  }
0xfc: {  	v5 =	vand.u32 $0x1, v5;
	s20 =	sor.u32 s30, s16;
	v9 =	vld [tilespmem:s31+$0x200];
	v2 =	vand.u32 $0xFFFF0000, v2;
	v1 =	vadd.s32 v7, v1  }
0xfd: {  	s18 =	sor.u32 $0x20, s15;
	v7 =	vld [tilespmem:s20+$0x200];
	v3 =	vadd.f32 v3, v6;
	v2 =	vmul.f32 v2, v4;
	v1 =	vadd.s32 $0x7FFF, v1  }
0xfe: {  	v0 =	vadd.s32 v5, v0;
	s16 =	sor.u32 s18, s16;
	v1 =	vand.u32 $0xFFFF0000, v1  }
0xff: {  	s14 =	sand.u32 $0x380, s14;
	s13 =	sadd.s32 $0x40, s13;
	v0 =	vadd.s32 $0x7FFF, v0;
	v4 =	vld [tilespmem:s16+$0x200];
	v2 =	vadd.f32 v2, v3;
	v1 =	vmul.f32 v1, v8  }
0x100: {  	s20 =	sor.u32 $0x2000, s14;
	v0 =	vand.u32 $0xFFFF0000, v0;
	v3 =	vld [tilespmem:s13+$0x0];
	v5 =	vshrl.u32 v11, $0x10  }
0x101: {  	s14 =	sor.u32 s30, s20;
	v0 =	vmul.f32 v0, v10;
	v5 =	vand.u32 $0x1, v5;
	v1 =	vadd.f32 v1, v2  }
0x102: {  	v8 =	vshrl.u32 v9, $0x10;
	v6 =	vshrl.u32 v7, $0x10;
	v2 =	vadd.s32 v5, v11;
	v5 =	vld [tilespmem:s14+$0x0]  }
0x103: {  	s21 =	sor.u32 s18, s20;
	v6 =	vand.u32 $0x1, v6;
	v2 =	vadd.s32 $0x7FFF, v2;
	v0 =	vadd.f32 v0, v1  }
0x104: {  	v1 =	vand.u32 $0xFFFF0000, v2;
	v2 =	vadd.s32 v6, v7;
	v6 =	vld [tilespmem:s21+$0x0];
	v7 =	vshrl.u32 v4, $0x10  }
0x105: {  	s13 =	sor.u32 s29, s20;
	v1 =	vmul.f32 v1, v3;
	v2 =	vadd.s32 $0x7FFF, v2;
	v3 =	vand.u32 $0x1, v7  }
0x106: {  	v7 =	vld [tilespmem:s13+$0x0];
	v2 =	vand.u32 $0xFFFF0000, v2;
	v3 =	vadd.s32 v3, v4;
	v4 =	vand.u32 $0x1, v8  }
0x107: {  	v0 =	vadd.f32 v1, v0;
	v1 =	vmul.f32 v2, v5;
	v2 =	vadd.s32 $0x7FFF, v3  }
0x108: {  	v3 =	vadd.s32 v4, v9;
	v2 =	vand.u32 $0xFFFF0000, v2  }
0x109: {  	v0 =	vadd.f32 v1, v0;
	v1 =	vmul.f32 v2, v6;
	v2 =	vadd.s32 $0x7FFF, v3  }
0x10a: {  	v2 =	vand.u32 $0xFFFF0000, v2  }
0x10b: {  	v0 =	vadd.f32 v1, v0;
	v1 =	vmul.f32 v2, v7;
	_ =	sdelay $0x1  }
0x10c: {  	s22 =	simm.s32 $0x0;
	s23 =	simm.s32 $0x0;
	v0 =	vadd.f32 v1, v0  }
0x10d: {  	s24 =	sand.u32 $0x40, s22;
	s14 =	sand.u32 $0x1C00, s23  }
0x10e: {  	s25 =	sor.u32 s24, s14;
	[tilespmem:s12+$0x2440] =	vst v0  }
0x10f: {  	s26 =	sor.u32 $0x10, s24;
	v0 =	vld [tilespmem:s25+$0x280]  }
0x110: {  	s28 =	sor.u32 $0x30, s24;
	s29 =	sor.u32 s26, s14  }
0x111: {  	s15 =	sor.u32 $0x20, s24;
	s30 =	sor.u32 s28, s14;
	v1 =	vld [tilespmem:s29+$0x280]  }
0x112: {  	s14 =	sor.u32 s15, s14;
	v3 =	vld [tilespmem:s30+$0x280]  }
0x113: {  	s31 =	simm.s32 $0x2000;
	s13 =	sand.u32 $0x380, s22;
	v2 =	vld [tilespmem:s14+$0x280]  }
0x114: {  	s13 =	sor.u32 $0x2000, s13;
	v4 =	vld [tilespmem:s31+$0x0];
	v5 =	vshrl.u32 v0, $0x10  }
0x115: {  	s19 =	sor.u32 s26, s13;
	v5 =	vand.u32 $0x1, v5  }
0x116: {  	s20 =	simm.s32 $0x40;
	s21 =	simm.s32 $0x200;
	s22 =	sor.u32 s28, s13;
	v6 =	vimm.f32 $0.0e+00;
	v7 =	vshrl.u32 v1, $0x10;
	v0 =	vadd.s32 v5, v0;
	v5 =	vld [tilespmem:s19+$0x0]  }
0x117: {  	s23 =	sand.u32 $0x40, s20;
	s18 =	sand.u32 $0x1C00, s21;
	s13 =	sor.u32 s15, s13;
	v9 =	vld [tilespmem:s22+$0x0];
	v8 =	vshrl.u32 v3, $0x10;
	v7 =	vand.u32 $0x1, v7;
	v0 =	vadd.s32 $0x7FFF, v0  }
0x118: {  	s24 =	sor.u32 s23, s18;
	s26 =	sor.u32 $0x10, s23;
	v10 =	vshrl.u32 v2, $0x10;
	v1 =	vadd.s32 v7, v1;
	v7 =	vld [tilespmem:s13+$0x0];
	v0 =	vand.u32 $0xFFFF0000, v0  }
0x119: {  	s25 =	sor.u32 $0x30, s23;
	v11 =	vld [tilespmem:s24+$0x280];
	s29 =	sor.u32 s26, s18;
	v10 =	vand.u32 $0x1, v10;
	v1 =	vadd.s32 $0x7FFF, v1;
	v4 =	vmul.f32 v0, v4  }
0x11a: {  	s28 =	sor.u32 s25, s18;
	v8 =	vand.u32 $0x1, v8;
	v10 =	vadd.s32 v10, v2;
	v2 =	vld [tilespmem:s29+$0x280];
	v1 =	vand.u32 $0xFFFF0000, v1  }
0x11b: {  	s17 =	sor.u32 $0x20, s23;
	v0 =	vld [tilespmem:s28+$0x280];
	v4 =	vadd.f32 v4, v6;
	v1 =	vmul.f32 v1, v5;
	v5 =	vadd.s32 $0x7FFF, v10  }
0x11c: {  	s30 =	sor.u32 s17, s18;
	v3 =	vadd.s32 v8, v3;
	v5 =	vand.u32 $0xFFFF0000, v5  }
0x11d: {  	s31 =	sand.u32 $0x380, s20;
	s13 =	simm.s32 $0x2040;
	v3 =	vadd.s32 $0x7FFF, v3;
	v4 =	vadd.f32 v1, v4;
	v5 =	vmul.f32 v5, v7;
	v1 =	vld [tilespmem:s30+$0x280]  }
0x11e: {  	s16 =	simm.s32 $0x1000;
	s19 =	sor.u32 $0x2000, s31;
	v6 =	vshrl.u32 v11, $0x10;
	v7 =	vand.u32 $0xFFFF0000, v3;
	v3 =	vld [tilespmem:s13+$0x0]  }
0x11f: {  	s14 =	simm.s32 $0x80;
	s20 =	simm.s32 $0x400;
	s22 =	sor.u32 s26, s19;
	v8 =	vand.u32 $0x1, v6;
	v7 =	vmul.f32 v7, v9;
	v6 =	vadd.f32 v5, v4  }
0x120: {  	s15 =	sand.u32 $0x40, s14;
	s18 =	simm.s32 $0xC0;
	s21 =	sor.u32 s25, s19;
	v8 =	vadd.s32 v8, v11;
	v9 =	vshrl.u32 v2, $0x10;
	v4 =	vld [tilespmem:s22+$0x0];
	v5 =	vshrl.u32 v0, $0x10  }
.LBB2_13:
0x121: {  	p0 =	sne.s32 s18, $0x3C0;
	s20 =	sand.u32 $0x1C00, s20;
	v8 =	vadd.s32 $0x7FFF, v8;
	v9 =	vand.u32 $0x1, v9;
	s17 =	sor.u32 s17, s19;
	v10 =	vld [tilespmem:s21+$0x0];
	v6 =	vadd.f32 v7, v6  }
0x122: {  	s21 =	sor.u32 $0x30, s15;
	s19 =	sor.u32 s15, s20;
	v7 =	vand.u32 $0xFFFF0000, v8;
	v2 =	vadd.s32 v9, v2;
	v8 =	vld [tilespmem:s17+$0x0];
	v9 =	vshrl.u32 v1, $0x10  }
0x123: {  	s22 =	sor.u32 $0x10, s15;
	s17 =	sor.u32 s21, s20;
	v11 =	vld [tilespmem:s19+$0x280];
	v3 =	vmul.f32 v7, v3;
	v2 =	vadd.s32 $0x7FFF, v2;
	v7 =	vand.u32 $0x1, v9  }
0x124: {  	v5 =	vand.u32 $0x1, v5;
	s19 =	sor.u32 s22, s20;
	v9 =	vld [tilespmem:s17+$0x280];
	v12 =	vand.u32 $0xFFFF0000, v2;
	v1 =	vadd.s32 v7, v1  }
0x125: {  	s17 =	sor.u32 $0x20, s15;
	v2 =	vld [tilespmem:s19+$0x280];
	v3 =	vadd.f32 v3, v6;
	v4 =	vmul.f32 v12, v4;
	v1 =	vadd.s32 $0x7FFF, v1  }
.Ltmp5:
0x126: {  	v0 =	vadd.s32 v5, v0;
	s15 =	sor.u32 s17, s20;
	v6 =	vand.u32 $0xFFFF0000, v1;
	(pc) =	sbr.rel @p0 .LBB2_13-.Ltmp5, $4  }
0x127: {  	s13 =	sadd.s32 $0x40, s13;
	v13 =	vadd.s32 $0x7FFF, v0;
	s19 =	sand.u32 $0x380, s14;
	s14 =	smov.u32 s18;
	v1 =	vld [tilespmem:s15+$0x280];
	v4 =	vadd.f32 v4, v3;
	v5 =	vmul.f32 v6, v8  }
0x128: {  	v12 =	vand.u32 $0xFFFF0000, v13;
	s19 =	sor.u32 $0x2000, s19;
	v3 =	vld [tilespmem:s13+$0x0];
	v6 =	vshrl.u32 v11, $0x10  }
0x129: {  	s16 =	sadd.s32 $0x800, s16;
	v7 =	vmul.f32 v12, v10;
	s15 =	sand.u32 $0x40, s18;
	s22 =	sor.u32 s22, s19;
	v8 =	vand.u32 $0x1, v6;
	v6 =	vadd.f32 v5, v4;
	v0 =	vmovc v9  }
0x12a: {  	s20 =	sshrl.u32 s16, $0x2;
	s18 =	sadd.s32 $0x40, s18;
	s21 =	sor.u32 s21, s19;
	v8 =	vadd.s32 v8, v11;
	v4 =	vld [tilespmem:s22+$0x0];
	v9 =	vshrl.u32 v2, $0x10;
	v5 =	vshrl.u32 v0, $0x10  }
0x12b: {  	s16 =	sand.u32 $0x1C00, s20;
	v8 =	vadd.s32 $0x7FFF, v8;
	v9 =	vand.u32 $0x1, v9;
	s17 =	sor.u32 s17, s19;
	v10 =	vld [tilespmem:s21+$0x0];
	v6 =	vadd.f32 v7, v6  }
0x12c: {  	s29 =	sor.u32 $0x30, s15;
	s18 =	sor.u32 s15, s16;
	v7 =	vand.u32 $0xFFFF0000, v8;
	v2 =	vadd.s32 v9, v2;
	v8 =	vld [tilespmem:s17+$0x0];
	v9 =	vshrl.u32 v1, $0x10  }
0x12d: {  	s30 =	sor.u32 $0x10, s15;
	s31 =	sor.u32 s29, s16;
	v11 =	vld [tilespmem:s18+$0x280];
	v3 =	vmul.f32 v7, v3;
	v2 =	vadd.s32 $0x7FFF, v2;
	v7 =	vand.u32 $0x1, v9  }
0x12e: {  	v5 =	vand.u32 $0x1, v5;
	s20 =	sor.u32 s30, s16;
	v9 =	vld [tilespmem:s31+$0x280];
	v2 =	vand.u32 $0xFFFF0000, v2;
	v1 =	vadd.s32 v7, v1  }
0x12f: {  	s18 =	sor.u32 $0x20, s15;
	v7 =	vld [tilespmem:s20+$0x280];
	v3 =	vadd.f32 v3, v6;
	v2 =	vmul.f32 v2, v4;
	v1 =	vadd.s32 $0x7FFF, v1  }
0x130: {  	v0 =	vadd.s32 v5, v0;
	s16 =	sor.u32 s18, s16;
	v1 =	vand.u32 $0xFFFF0000, v1  }
0x131: {  	s14 =	sand.u32 $0x380, s14;
	s13 =	sadd.s32 $0x40, s13;
	v0 =	vadd.s32 $0x7FFF, v0;
	v4 =	vld [tilespmem:s16+$0x280];
	v2 =	vadd.f32 v2, v3;
	v1 =	vmul.f32 v1, v8  }
0x132: {  	s20 =	sor.u32 $0x2000, s14;
	v0 =	vand.u32 $0xFFFF0000, v0;
	v3 =	vld [tilespmem:s13+$0x0];
	v5 =	vshrl.u32 v11, $0x10  }
0x133: {  	s14 =	sor.u32 s30, s20;
	v0 =	vmul.f32 v0, v10;
	v5 =	vand.u32 $0x1, v5;
	v1 =	vadd.f32 v1, v2  }
0x134: {  	v8 =	vshrl.u32 v9, $0x10;
	v6 =	vshrl.u32 v7, $0x10;
	v2 =	vadd.s32 v5, v11;
	v5 =	vld [tilespmem:s14+$0x0]  }
0x135: {  	s21 =	sor.u32 s18, s20;
	v6 =	vand.u32 $0x1, v6;
	v2 =	vadd.s32 $0x7FFF, v2;
	v0 =	vadd.f32 v0, v1  }
0x136: {  	v1 =	vand.u32 $0xFFFF0000, v2;
	v2 =	vadd.s32 v6, v7;
	v6 =	vld [tilespmem:s21+$0x0];
	v7 =	vshrl.u32 v4, $0x10  }
0x137: {  	s13 =	sor.u32 s29, s20;
	v1 =	vmul.f32 v1, v3;
	v2 =	vadd.s32 $0x7FFF, v2;
	v3 =	vand.u32 $0x1, v7  }
0x138: {  	v7 =	vld [tilespmem:s13+$0x0];
	v2 =	vand.u32 $0xFFFF0000, v2;
	v3 =	vadd.s32 v3, v4;
	v4 =	vand.u32 $0x1, v8  }
0x139: {  	v0 =	vadd.f32 v1, v0;
	v1 =	vmul.f32 v2, v5;
	v2 =	vadd.s32 $0x7FFF, v3  }
0x13a: {  	v3 =	vadd.s32 v4, v9;
	v2 =	vand.u32 $0xFFFF0000, v2  }
0x13b: {  	v0 =	vadd.f32 v1, v0;
	v1 =	vmul.f32 v2, v6;
	v2 =	vadd.s32 $0x7FFF, v3  }
0x13c: {  	v2 =	vand.u32 $0xFFFF0000, v2  }
0x13d: {  	v0 =	vadd.f32 v1, v0;
	v1 =	vmul.f32 v2, v7;
	_ =	sdelay $0x1  }
0x13e: {  	s22 =	simm.s32 $0x0;
	s23 =	simm.s32 $0x0;
	v0 =	vadd.f32 v1, v0  }
0x13f: {  	s24 =	sand.u32 $0x40, s22;
	s14 =	sand.u32 $0x1C00, s23  }
0x140: {  	s25 =	sor.u32 s24, s14;
	[tilespmem:s12+$0x2450] =	vst v0  }
0x141: {  	s26 =	sor.u32 $0x10, s24;
	v0 =	vld [tilespmem:s25+$0x300]  }
0x142: {  	s28 =	sor.u32 $0x30, s24;
	s29 =	sor.u32 s26, s14  }
0x143: {  	s15 =	sor.u32 $0x20, s24;
	s30 =	sor.u32 s28, s14;
	v1 =	vld [tilespmem:s29+$0x300]  }
0x144: {  	s14 =	sor.u32 s15, s14;
	v3 =	vld [tilespmem:s30+$0x300]  }
0x145: {  	s31 =	simm.s32 $0x2000;
	s13 =	sand.u32 $0x380, s22;
	v2 =	vld [tilespmem:s14+$0x300]  }
0x146: {  	s13 =	sor.u32 $0x2000, s13;
	v4 =	vld [tilespmem:s31+$0x0];
	v5 =	vshrl.u32 v0, $0x10  }
0x147: {  	s19 =	sor.u32 s26, s13;
	v5 =	vand.u32 $0x1, v5  }
0x148: {  	s20 =	simm.s32 $0x40;
	s21 =	simm.s32 $0x200;
	s22 =	sor.u32 s28, s13;
	v6 =	vimm.f32 $0.0e+00;
	v7 =	vshrl.u32 v1, $0x10;
	v0 =	vadd.s32 v5, v0;
	v5 =	vld [tilespmem:s19+$0x0]  }
0x149: {  	s23 =	sand.u32 $0x40, s20;
	s18 =	sand.u32 $0x1C00, s21;
	s13 =	sor.u32 s15, s13;
	v9 =	vld [tilespmem:s22+$0x0];
	v8 =	vshrl.u32 v3, $0x10;
	v7 =	vand.u32 $0x1, v7;
	v0 =	vadd.s32 $0x7FFF, v0  }
0x14a: {  	s24 =	sor.u32 s23, s18;
	s26 =	sor.u32 $0x10, s23;
	v10 =	vshrl.u32 v2, $0x10;
	v1 =	vadd.s32 v7, v1;
	v7 =	vld [tilespmem:s13+$0x0];
	v0 =	vand.u32 $0xFFFF0000, v0  }
0x14b: {  	s25 =	sor.u32 $0x30, s23;
	v11 =	vld [tilespmem:s24+$0x300];
	s29 =	sor.u32 s26, s18;
	v10 =	vand.u32 $0x1, v10;
	v1 =	vadd.s32 $0x7FFF, v1;
	v4 =	vmul.f32 v0, v4  }
0x14c: {  	s28 =	sor.u32 s25, s18;
	v8 =	vand.u32 $0x1, v8;
	v10 =	vadd.s32 v10, v2;
	v2 =	vld [tilespmem:s29+$0x300];
	v1 =	vand.u32 $0xFFFF0000, v1  }
0x14d: {  	s17 =	sor.u32 $0x20, s23;
	v0 =	vld [tilespmem:s28+$0x300];
	v4 =	vadd.f32 v4, v6;
	v1 =	vmul.f32 v1, v5;
	v5 =	vadd.s32 $0x7FFF, v10  }
0x14e: {  	s30 =	sor.u32 s17, s18;
	v3 =	vadd.s32 v8, v3;
	v5 =	vand.u32 $0xFFFF0000, v5  }
0x14f: {  	s31 =	sand.u32 $0x380, s20;
	s13 =	simm.s32 $0x2040;
	v3 =	vadd.s32 $0x7FFF, v3;
	v4 =	vadd.f32 v1, v4;
	v5 =	vmul.f32 v5, v7;
	v1 =	vld [tilespmem:s30+$0x300]  }
0x150: {  	s16 =	simm.s32 $0x1000;
	s19 =	sor.u32 $0x2000, s31;
	v6 =	vshrl.u32 v11, $0x10;
	v7 =	vand.u32 $0xFFFF0000, v3;
	v3 =	vld [tilespmem:s13+$0x0]  }
0x151: {  	s14 =	simm.s32 $0x80;
	s20 =	simm.s32 $0x400;
	s22 =	sor.u32 s26, s19;
	v8 =	vand.u32 $0x1, v6;
	v7 =	vmul.f32 v7, v9;
	v6 =	vadd.f32 v5, v4  }
0x152: {  	s15 =	sand.u32 $0x40, s14;
	s18 =	simm.s32 $0xC0;
	s21 =	sor.u32 s25, s19;
	v8 =	vadd.s32 v8, v11;
	v9 =	vshrl.u32 v2, $0x10;
	v4 =	vld [tilespmem:s22+$0x0];
	v5 =	vshrl.u32 v0, $0x10  }
.LBB2_15:
0x153: {  	p0 =	sne.s32 s18, $0x3C0;
	s20 =	sand.u32 $0x1C00, s20;
	v8 =	vadd.s32 $0x7FFF, v8;
	v9 =	vand.u32 $0x1, v9;
	s17 =	sor.u32 s17, s19;
	v10 =	vld [tilespmem:s21+$0x0];
	v6 =	vadd.f32 v7, v6  }
0x154: {  	s21 =	sor.u32 $0x30, s15;
	s19 =	sor.u32 s15, s20;
	v7 =	vand.u32 $0xFFFF0000, v8;
	v2 =	vadd.s32 v9, v2;
	v8 =	vld [tilespmem:s17+$0x0];
	v9 =	vshrl.u32 v1, $0x10  }
0x155: {  	s22 =	sor.u32 $0x10, s15;
	s17 =	sor.u32 s21, s20;
	v11 =	vld [tilespmem:s19+$0x300];
	v3 =	vmul.f32 v7, v3;
	v2 =	vadd.s32 $0x7FFF, v2;
	v7 =	vand.u32 $0x1, v9  }
0x156: {  	v5 =	vand.u32 $0x1, v5;
	s19 =	sor.u32 s22, s20;
	v9 =	vld [tilespmem:s17+$0x300];
	v12 =	vand.u32 $0xFFFF0000, v2;
	v1 =	vadd.s32 v7, v1  }
0x157: {  	s17 =	sor.u32 $0x20, s15;
	v2 =	vld [tilespmem:s19+$0x300];
	v3 =	vadd.f32 v3, v6;
	v4 =	vmul.f32 v12, v4;
	v1 =	vadd.s32 $0x7FFF, v1  }
.Ltmp6:
0x158: {  	v0 =	vadd.s32 v5, v0;
	s15 =	sor.u32 s17, s20;
	v6 =	vand.u32 $0xFFFF0000, v1;
	(pc) =	sbr.rel @p0 .LBB2_15-.Ltmp6, $4  }
0x159: {  	s13 =	sadd.s32 $0x40, s13;
	v13 =	vadd.s32 $0x7FFF, v0;
	s19 =	sand.u32 $0x380, s14;
	s14 =	smov.u32 s18;
	v1 =	vld [tilespmem:s15+$0x300];
	v4 =	vadd.f32 v4, v3;
	v5 =	vmul.f32 v6, v8  }
0x15a: {  	v12 =	vand.u32 $0xFFFF0000, v13;
	s19 =	sor.u32 $0x2000, s19;
	v3 =	vld [tilespmem:s13+$0x0];
	v6 =	vshrl.u32 v11, $0x10  }
0x15b: {  	s16 =	sadd.s32 $0x800, s16;
	v7 =	vmul.f32 v12, v10;
	s15 =	sand.u32 $0x40, s18;
	s22 =	sor.u32 s22, s19;
	v8 =	vand.u32 $0x1, v6;
	v6 =	vadd.f32 v5, v4;
	v0 =	vmovc v9  }
0x15c: {  	s20 =	sshrl.u32 s16, $0x2;
	s18 =	sadd.s32 $0x40, s18;
	s21 =	sor.u32 s21, s19;
	v8 =	vadd.s32 v8, v11;
	v4 =	vld [tilespmem:s22+$0x0];
	v9 =	vshrl.u32 v2, $0x10;
	v5 =	vshrl.u32 v0, $0x10  }
0x15d: {  	s16 =	sand.u32 $0x1C00, s20;
	v8 =	vadd.s32 $0x7FFF, v8;
	v9 =	vand.u32 $0x1, v9;
	s17 =	sor.u32 s17, s19;
	v10 =	vld [tilespmem:s21+$0x0];
	v6 =	vadd.f32 v7, v6  }
0x15e: {  	s29 =	sor.u32 $0x30, s15;
	s18 =	sor.u32 s15, s16;
	v7 =	vand.u32 $0xFFFF0000, v8;
	v2 =	vadd.s32 v9, v2;
	v8 =	vld [tilespmem:s17+$0x0];
	v9 =	vshrl.u32 v1, $0x10  }
0x15f: {  	s30 =	sor.u32 $0x10, s15;
	s31 =	sor.u32 s29, s16;
	v11 =	vld [tilespmem:s18+$0x300];
	v3 =	vmul.f32 v7, v3;
	v2 =	vadd.s32 $0x7FFF, v2;
	v7 =	vand.u32 $0x1, v9  }
0x160: {  	v5 =	vand.u32 $0x1, v5;
	s20 =	sor.u32 s30, s16;
	v9 =	vld [tilespmem:s31+$0x300];
	v2 =	vand.u32 $0xFFFF0000, v2;
	v1 =	vadd.s32 v7, v1  }
0x161: {  	s18 =	sor.u32 $0x20, s15;
	v7 =	vld [tilespmem:s20+$0x300];
	v3 =	vadd.f32 v3, v6;
	v2 =	vmul.f32 v2, v4;
	v1 =	vadd.s32 $0x7FFF, v1  }
0x162: {  	v0 =	vadd.s32 v5, v0;
	s16 =	sor.u32 s18, s16;
	v1 =	vand.u32 $0xFFFF0000, v1  }
0x163: {  	s14 =	sand.u32 $0x380, s14;
	s13 =	sadd.s32 $0x40, s13;
	v0 =	vadd.s32 $0x7FFF, v0;
	v4 =	vld [tilespmem:s16+$0x300];
	v2 =	vadd.f32 v2, v3;
	v1 =	vmul.f32 v1, v8  }
0x164: {  	s20 =	sor.u32 $0x2000, s14;
	v0 =	vand.u32 $0xFFFF0000, v0;
	v3 =	vld [tilespmem:s13+$0x0];
	v5 =	vshrl.u32 v11, $0x10  }
0x165: {  	s14 =	sor.u32 s30, s20;
	v0 =	vmul.f32 v0, v10;
	v5 =	vand.u32 $0x1, v5;
	v1 =	vadd.f32 v1, v2  }
0x166: {  	v8 =	vshrl.u32 v9, $0x10;
	v6 =	vshrl.u32 v7, $0x10;
	v2 =	vadd.s32 v5, v11;
	v5 =	vld [tilespmem:s14+$0x0]  }
0x167: {  	s21 =	sor.u32 s18, s20;
	v6 =	vand.u32 $0x1, v6;
	v2 =	vadd.s32 $0x7FFF, v2;
	v0 =	vadd.f32 v0, v1  }
0x168: {  	v1 =	vand.u32 $0xFFFF0000, v2;
	v2 =	vadd.s32 v6, v7;
	v6 =	vld [tilespmem:s21+$0x0];
	v7 =	vshrl.u32 v4, $0x10  }
0x169: {  	s13 =	sor.u32 s29, s20;
	v1 =	vmul.f32 v1, v3;
	v2 =	vadd.s32 $0x7FFF, v2;
	v3 =	vand.u32 $0x1, v7  }
0x16a: {  	v7 =	vld [tilespmem:s13+$0x0];
	v2 =	vand.u32 $0xFFFF0000, v2;
	v3 =	vadd.s32 v3, v4;
	v4 =	vand.u32 $0x1, v8  }
0x16b: {  	v0 =	vadd.f32 v1, v0;
	v1 =	vmul.f32 v2, v5;
	v2 =	vadd.s32 $0x7FFF, v3  }
0x16c: {  	v3 =	vadd.s32 v4, v9;
	v2 =	vand.u32 $0xFFFF0000, v2  }
0x16d: {  	v0 =	vadd.f32 v1, v0;
	v1 =	vmul.f32 v2, v6;
	v2 =	vadd.s32 $0x7FFF, v3  }
0x16e: {  	v2 =	vand.u32 $0xFFFF0000, v2  }
0x16f: {  	v0 =	vadd.f32 v1, v0;
	v1 =	vmul.f32 v2, v7;
	_ =	sdelay $0x1  }
0x170: {  	s22 =	simm.s32 $0x0;
	s23 =	simm.s32 $0x0;
	v0 =	vadd.f32 v1, v0  }
0x171: {  	s24 =	sand.u32 $0x40, s22;
	s14 =	sand.u32 $0x1C00, s23  }
0x172: {  	s25 =	sor.u32 s24, s14;
	[tilespmem:s12+$0x2460] =	vst v0  }
0x173: {  	s26 =	sor.u32 $0x10, s24;
	v0 =	vld [tilespmem:s25+$0x380]  }
0x174: {  	s28 =	sor.u32 $0x30, s24;
	s29 =	sor.u32 s26, s14  }
0x175: {  	s15 =	sor.u32 $0x20, s24;
	s30 =	sor.u32 s28, s14;
	v1 =	vld [tilespmem:s29+$0x380]  }
0x176: {  	s14 =	sor.u32 s15, s14;
	v3 =	vld [tilespmem:s30+$0x380]  }
0x177: {  	s31 =	simm.s32 $0x2000;
	s13 =	sand.u32 $0x380, s22;
	v2 =	vld [tilespmem:s14+$0x380]  }
0x178: {  	s13 =	sor.u32 $0x2000, s13;
	v4 =	vld [tilespmem:s31+$0x0];
	v5 =	vshrl.u32 v0, $0x10  }
0x179: {  	s19 =	sor.u32 s26, s13;
	v5 =	vand.u32 $0x1, v5  }
0x17a: {  	s20 =	simm.s32 $0x40;
	s21 =	simm.s32 $0x200;
	s22 =	sor.u32 s28, s13;
	v6 =	vimm.f32 $0.0e+00;
	v7 =	vshrl.u32 v1, $0x10;
	v0 =	vadd.s32 v5, v0;
	v5 =	vld [tilespmem:s19+$0x0]  }
0x17b: {  	s23 =	sand.u32 $0x40, s20;
	s18 =	sand.u32 $0x1C00, s21;
	s13 =	sor.u32 s15, s13;
	v9 =	vld [tilespmem:s22+$0x0];
	v8 =	vshrl.u32 v3, $0x10;
	v7 =	vand.u32 $0x1, v7;
	v0 =	vadd.s32 $0x7FFF, v0  }
0x17c: {  	s24 =	sor.u32 s23, s18;
	s26 =	sor.u32 $0x10, s23;
	v10 =	vshrl.u32 v2, $0x10;
	v1 =	vadd.s32 v7, v1;
	v7 =	vld [tilespmem:s13+$0x0];
	v0 =	vand.u32 $0xFFFF0000, v0  }
0x17d: {  	s25 =	sor.u32 $0x30, s23;
	v11 =	vld [tilespmem:s24+$0x380];
	s29 =	sor.u32 s26, s18;
	v10 =	vand.u32 $0x1, v10;
	v1 =	vadd.s32 $0x7FFF, v1;
	v4 =	vmul.f32 v0, v4  }
0x17e: {  	s28 =	sor.u32 s25, s18;
	v8 =	vand.u32 $0x1, v8;
	v10 =	vadd.s32 v10, v2;
	v2 =	vld [tilespmem:s29+$0x380];
	v1 =	vand.u32 $0xFFFF0000, v1  }
0x17f: {  	s17 =	sor.u32 $0x20, s23;
	v0 =	vld [tilespmem:s28+$0x380];
	v4 =	vadd.f32 v4, v6;
	v1 =	vmul.f32 v1, v5;
	v5 =	vadd.s32 $0x7FFF, v10  }
0x180: {  	s30 =	sor.u32 s17, s18;
	v3 =	vadd.s32 v8, v3;
	v5 =	vand.u32 $0xFFFF0000, v5  }
0x181: {  	s31 =	sand.u32 $0x380, s20;
	s13 =	simm.s32 $0x2040;
	v3 =	vadd.s32 $0x7FFF, v3;
	v4 =	vadd.f32 v1, v4;
	v5 =	vmul.f32 v5, v7;
	v1 =	vld [tilespmem:s30+$0x380]  }
0x182: {  	s16 =	simm.s32 $0x1000;
	s19 =	sor.u32 $0x2000, s31;
	v6 =	vshrl.u32 v11, $0x10;
	v7 =	vand.u32 $0xFFFF0000, v3;
	v3 =	vld [tilespmem:s13+$0x0]  }
0x183: {  	s14 =	simm.s32 $0x80;
	s20 =	simm.s32 $0x400;
	s22 =	sor.u32 s26, s19;
	v8 =	vand.u32 $0x1, v6;
	v7 =	vmul.f32 v7, v9;
	v6 =	vadd.f32 v5, v4  }
0x184: {  	s15 =	sand.u32 $0x40, s14;
	s18 =	simm.s32 $0xC0;
	s21 =	sor.u32 s25, s19;
	v8 =	vadd.s32 v8, v11;
	v9 =	vshrl.u32 v2, $0x10;
	v4 =	vld [tilespmem:s22+$0x0];
	v5 =	vshrl.u32 v0, $0x10  }
.LBB2_17:
0x185: {  	p0 =	sne.s32 s18, $0x3C0;
	s20 =	sand.u32 $0x1C00, s20;
	v8 =	vadd.s32 $0x7FFF, v8;
	v9 =	vand.u32 $0x1, v9;
	s17 =	sor.u32 s17, s19;
	v10 =	vld [tilespmem:s21+$0x0];
	v6 =	vadd.f32 v7, v6  }
0x186: {  	s21 =	sor.u32 $0x30, s15;
	s19 =	sor.u32 s15, s20;
	v7 =	vand.u32 $0xFFFF0000, v8;
	v2 =	vadd.s32 v9, v2;
	v8 =	vld [tilespmem:s17+$0x0];
	v9 =	vshrl.u32 v1, $0x10  }
0x187: {  	s22 =	sor.u32 $0x10, s15;
	s17 =	sor.u32 s21, s20;
	v11 =	vld [tilespmem:s19+$0x380];
	v3 =	vmul.f32 v7, v3;
	v2 =	vadd.s32 $0x7FFF, v2;
	v7 =	vand.u32 $0x1, v9  }
0x188: {  	v5 =	vand.u32 $0x1, v5;
	s19 =	sor.u32 s22, s20;
	v9 =	vld [tilespmem:s17+$0x380];
	v12 =	vand.u32 $0xFFFF0000, v2;
	v1 =	vadd.s32 v7, v1  }
0x189: {  	s17 =	sor.u32 $0x20, s15;
	v2 =	vld [tilespmem:s19+$0x380];
	v3 =	vadd.f32 v3, v6;
	v4 =	vmul.f32 v12, v4;
	v1 =	vadd.s32 $0x7FFF, v1  }
.Ltmp7:
0x18a: {  	v0 =	vadd.s32 v5, v0;
	s15 =	sor.u32 s17, s20;
	v6 =	vand.u32 $0xFFFF0000, v1;
	(pc) =	sbr.rel @p0 .LBB2_17-.Ltmp7, $4  }
0x18b: {  	s13 =	sadd.s32 $0x40, s13;
	v13 =	vadd.s32 $0x7FFF, v0;
	s19 =	sand.u32 $0x380, s14;
	s14 =	smov.u32 s18;
	v1 =	vld [tilespmem:s15+$0x380];
	v4 =	vadd.f32 v4, v3;
	v5 =	vmul.f32 v6, v8  }
0x18c: {  	v12 =	vand.u32 $0xFFFF0000, v13;
	s19 =	sor.u32 $0x2000, s19;
	v3 =	vld [tilespmem:s13+$0x0];
	v6 =	vshrl.u32 v11, $0x10  }
0x18d: {  	s16 =	sadd.s32 $0x800, s16;
	v7 =	vmul.f32 v12, v10;
	s15 =	sand.u32 $0x40, s18;
	s22 =	sor.u32 s22, s19;
	v8 =	vand.u32 $0x1, v6;
	v6 =	vadd.f32 v5, v4;
	v0 =	vmovc v9  }
0x18e: {  	s20 =	sshrl.u32 s16, $0x2;
	s18 =	sadd.s32 $0x40, s18;
	s21 =	sor.u32 s21, s19;
	v8 =	vadd.s32 v8, v11;
	v4 =	vld [tilespmem:s22+$0x0];
	v9 =	vshrl.u32 v2, $0x10;
	v5 =	vshrl.u32 v0, $0x10  }
0x18f: {  	s16 =	sand.u32 $0x1C00, s20;
	s17 =	sor.u32 s17, s19;
	v10 =	vld [tilespmem:s21+$0x0]  }
0x190: {  	v8 =	vadd.s32 $0x7FFF, v8;
	v9 =	vand.u32 $0x1, v9;
	s25 =	sor.u32 $0x30, s15;
	s18 =	sor.u32 s15, s16;
	v38 =	vld [tilespmem:s17+$0x0]  }
0x191: {  	v6 =	vadd.f32 v7, v6;
	s26 =	sor.u32 $0x10, s15;
	v5 =	vand.u32 $0x1, v5;
	v37 =	vand.u32 $0xFFFF0000, v8;
	s28 =	sor.u32 s25, s16;
	v11 =	vld [tilespmem:s18+$0x380]  }
0x192: {  	s29 =	sor.u32 $0x20, s15;
	v2 =	vadd.s32 v9, v2;
	v39 =	vshrl.u32 v1, $0x10;
	s20 =	sor.u32 s26, s16;
	v0 =	vadd.s32 v5, v0;
	v41 =	vld [tilespmem:s28+$0x380]  }
0x193: {  	s16 =	sor.u32 s29, s16;
	v3 =	vmul.f32 v37, v3;
	v2 =	vadd.s32 $0x7FFF, v2;
	v40 =	vand.u32 $0x1, v39;
	v43 =	vld [tilespmem:s20+$0x380]  }
0x194: {  	v44 =	vld [tilespmem:s16+$0x380];
	v0 =	vadd.s32 $0x7FFF, v0;
	v2 =	vand.u32 $0xFFFF0000, v2;
	v42 =	vadd.s32 v40, v1  }
0x195: {  	v3 =	vadd.f32 v3, v6;
	v2 =	vmul.f32 v2, v4;
	v1 =	vadd.s32 $0x7FFF, v42  }
0x196: {  	s14 =	sand.u32 $0x380, s14;
	s13 =	sadd.s32 $0x40, s13;
	v0 =	vand.u32 $0xFFFF0000, v0;
	v1 =	vand.u32 $0xFFFF0000, v1  }
0x197: {  	v45 =	vld [tilespmem:s13+$0x0];
	s30 =	sor.u32 $0x2000, s14;
	v0 =	vmul.f32 v0, v10;
	v2 =	vadd.f32 v2, v3;
	v46 =	vshrl.u32 v11, $0x10  }
0x198: {  	s14 =	sor.u32 s26, s30;
	v1 =	vmul.f32 v1, v38;
	v49 =	vshrl.u32 v43, $0x10;
	v5 =	vand.u32 $0x1, v46  }
0x199: {  	v48 =	vld [tilespmem:s14+$0x0];
	v50 =	vshrl.u32 v41, $0x10;
	v54 =	vshrl.u32 v44, $0x10;
	v47 =	vadd.s32 v5, v11  }
0x19a: {  	s31 =	sor.u32 s29, s30;
	v1 =	vadd.f32 v1, v2;
	v6 =	vand.u32 $0x1, v49;
	v2 =	vadd.s32 $0x7FFF, v47  }
0x19b: {  	v53 =	vld [tilespmem:s31+$0x0];
	v55 =	vand.u32 $0x1, v54;
	v52 =	vadd.s32 v6, v43;
	v51 =	vand.u32 $0xFFFF0000, v2  }
0x19c: {  	s13 =	sor.u32 s25, s30;
	v0 =	vadd.f32 v0, v1;
	v2 =	vadd.s32 $0x7FFF, v52;
	v1 =	vmul.f32 v51, v45  }
0x19d: {  	v56 =	vld [tilespmem:s13+$0x0];
	v57 =	vand.u32 $0x1, v50;
	v3 =	vadd.s32 v55, v44;
	v2 =	vand.u32 $0xFFFF0000, v2  }
0x19e: {  	v59 =	vadd.s32 $0x7FFF, v3;
	v58 =	vmul.f32 v2, v48;
	v0 =	vadd.f32 v1, v0  }
0x19f: {  	v60 =	vadd.s32 v57, v41;
	v2 =	vand.u32 $0xFFFF0000, v59  }
0x1a0: {  	s11 =	sadd.s32 $0x1, s11;
	v62 =	vadd.s32 $0x7FFF, v60;
	v61 =	vmul.f32 v2, v53;
	v0 =	vadd.f32 v58, v0  }
0x1a1: {  	p0 =	sne.s32 s11, $0x8;
	v2 =	vand.u32 $0xFFFF0000, v62  }
.Ltmp8:
0x1a2: {  	v63 =	vmul.f32 v2, v56;
	v0 =	vadd.f32 v61, v0;
	(pc) =	sbr.rel @p0 .LBB2_2-.Ltmp8, $3  }
0x1a3: {  	_ = 	snop  }
0x1a4: {  	v0 =	vadd.f32 v63, v0;
	_ =	sdelay $0x1  }
0x1a5: {  	[tilespmem:s12+$0x2470] =	vst v0  }
0x1a6: {  	s10 =	sadd.s32 $0x1, s10  }
0x1a7: {  	p0 =	sne.s32 s10, s6  }
.Ltmp9:
0x1a8: {  	_ = 	snop;
	(pc) =	sbr.rel @p0 .LBB2_1-.Ltmp9, $4  }
0x1a9: {  	[hbm4b:s5+s3] =	stream.linear.scatter [tilespmem:s9], [sflag:$0x1], $0x400, $0x38;
	[tilespmem:$0x2800] =	vst v63  }
0x1aa: {  	_ =	swait.ge [sflag:s8], $0x400  }
0x1ab: {  	[sflag:s8] =	ssyncset.done $0x0  }
0x1ac: {  	[sflag:s8] =	ssyncadd.s32 $0xFFFFFC00  }
0x1ad: {  	_ =	sfence.sel $0x180000  }
0x1ae: {  	[bflag:$0x0] =	sbarrier.arrive $0xFFFF  }
0x1af: {  	p0 =	sne.s32 s0, $0x0;
	_ =	strace $0x90000047  }
0x1b0: {  	s0 =	sadd.s32 @!p0 $0x100000, s1;
	[bflag:$0x2] =	sbarrier.arrive $0xFFFF  }
0x1b1: {  	[sflag:s0] =	ssyncadd.tile.s32 @!p0 $0x1;
	_ =	shalt  }
.Lfunc_end2:
_tile_overlayer_lowered:
.L_overlay_start_2:
0x1b2: {  	(tag) =	ssettag $0x2  }
0x1b3: {  	s0 =	rddreg [dreg:$0x0];
	s2 =	stileid.u32  }
0x1b4: {  	s1 =	rddreg [dreg:$0x1];
	p0 =	sne.s32 s2, $0x0  }
0x1b5: {  	s3 =	rddreg [dreg:$0x2];
	[bflag:$0x3] =	sbarrier.arrive $0xFFFF;
	s2 =	simm.s32 @!p0 $0x1C01  }
0x1b6: {  	[timem:s3], [sflag:s2] =	dma.local @!p0 [hbm:s0], s1  }
0x1b7: {  	s0 =	simm.s32 @!p0 $0x1  }
0x1b8: {  	_ =	swait.ge @!p0 [sflag:s0], s1  }
0x1b9: {  	s1 =	ssub.s32 @!p0 $0x0, s1;
	[sflag:s0] =	ssyncset.done @!p0 $0x0  }
0x1ba: {  	[sflag:s0] =	ssyncadd.s32 @!p0 s1  }
0x1bb: {  	[bflag:$0x3] =	sbarrier.arrive $0xFFFF  }
0x1bc: {  	_ =	shalt  }

</sc_bundles>
